<compile_context>
chip_gen: v7x
topology: tpu7x:2x2x1
jax: 0.10.2.dev20260603
libtpu: 0.0.44.dev20260713+nightly
codegen_flags: <defaults>
</compile_context>

<pallas_src>
import jax
import jax.numpy as jnp
from jax import lax
from jax.experimental import pallas as pl
from jax.experimental.pallas import tpu as pltpu
from jax.experimental.pallas import tpu_sc as plsc

B = 1024
SEQ = 77
N_CTX = 4
D = 512
TOK = SEQ - N_CTX
TOK_PAD = 80
NROW = 88
NC = 2
NS = 16
NW = NC * NS
BPW = B // NW
GRP = BPW // 8
UNROLL = 4
NIT = BPW // UNROLL


def _sc_kernel(gidx_hbm, sidx_hbm, ctx_hbm, table_hbm, out_hbm,
               gidx_v, sidx_v, buf0, buf1, gsem0, gsem1, ssem0, ssem1):
    wid = lax.axis_index("s") * NC + lax.axis_index("c")
    base = wid * BPW

    def start_gather(j, buf, sem):
        idx = gidx_v.at[jnp.right_shift(j, 3), jnp.bitwise_and(j, 7)]
        pltpu.async_copy(table_hbm.at[idx], buf.at[pl.ds(0, TOK_PAD)], sem)

    def wait_gather(j, buf, sem):
        idx = gidx_v.at[jnp.right_shift(j, 3), jnp.bitwise_and(j, 7)]
        pltpu.make_async_copy(table_hbm.at[idx],
                              buf.at[pl.ds(0, TOK_PAD)], sem).wait()

    def start_scatter(j, buf, sem):
        pltpu.async_copy(buf, out_hbm.at[base + j].at[sidx_v.at[0]], sem)

    def wait_scatter(j, buf, sem):
        pltpu.make_async_copy(buf, out_hbm.at[base + j].at[sidx_v.at[0]],
                              sem).wait()

    pltpu.sync_copy(gidx_hbm.at[pl.ds(wid * GRP, GRP)], gidx_v)
    pltpu.sync_copy(sidx_hbm, sidx_v)
    for buf in (buf0, buf1):
        pltpu.sync_copy(ctx_hbm, buf.at[pl.ds(TOK_PAD, N_CTX)])
        pltpu.sync_copy(ctx_hbm, buf.at[pl.ds(TOK_PAD + N_CTX, N_CTX)])

    start_gather(0, buf0, gsem0)
    start_gather(1, buf1, gsem1)

    def body(u, carry):
        j = u * UNROLL
        last = u >= NIT - 1
        wait_gather(j, buf0, gsem0)
        start_scatter(j, buf0, ssem0)
        wait_gather(j + 1, buf1, gsem1)
        start_scatter(j + 1, buf1, ssem1)
        wait_scatter(j, buf0, ssem0)
        start_gather(j + 2, buf0, gsem0)
        wait_scatter(j + 1, buf1, ssem1)
        start_gather(j + 3, buf1, gsem1)

        wait_gather(j + 2, buf0, gsem0)
        start_scatter(j + 2, buf0, ssem0)
        wait_gather(j + 3, buf1, gsem1)
        start_scatter(j + 3, buf1, ssem1)
        wait_scatter(j + 2, buf0, ssem0)

        @pl.when(jnp.logical_not(last))
        def _():
            start_gather(j + 4, buf0, gsem0)

        wait_scatter(j + 3, buf1, ssem1)

        @pl.when(jnp.logical_not(last))
        def _():
            start_gather(j + 5, buf1, gsem1)

        return carry

    lax.fori_loop(0, NIT, body, 0)


def kernel(text, ctx, token_embedding):
    gidx = jnp.pad(text[:, :TOK], ((0, 0), (0, TOK_PAD - TOK)), mode="edge")
    tok_rows = N_CTX + jnp.arange(TOK, dtype=jnp.int32)
    dup_rows = jnp.full((TOK_PAD - TOK,), SEQ - 1, jnp.int32)
    ctx_rows = jnp.arange(N_CTX, dtype=jnp.int32)
    sidx = jnp.concatenate([tok_rows, dup_rows, ctx_rows, ctx_rows])

    mesh = plsc.VectorSubcoreMesh(core_axis_name="c", subcore_axis_name="s",
                                  num_cores=NC, num_subcores=NS)
    run = pl.kernel(
        _sc_kernel,
        out_type=jax.ShapeDtypeStruct((B, SEQ, D), jnp.float32),
        mesh=mesh,
        scratch_types=(
            [pltpu.VMEM((GRP, 8, TOK_PAD), jnp.int32)]
            + [pltpu.VMEM((1, NROW), jnp.int32)]
            + [pltpu.VMEM((NROW, D), jnp.float32)] * 2
            + [pltpu.SemaphoreType.DMA] * 4
        ),
    )
    return run(gidx.reshape(B // 8, 8, TOK_PAD), sidx.reshape(1, NROW),
               ctx, token_embedding)

# --- scband reference (transcript-rebuilt; emitter-appended) ---
"""Pipeline reference for scband-prompt-learner-31550829756643 (READ-ONLY COPY).

The authoritative reference and input builder live on the scoring server;
editing this copy changes nothing except your own understanding.
"""

import jax, jax.numpy as jnp
import numpy as np

B = 1024
SEQ = 77
VOCAB = 49408
CTX_DIM = 512
N_CTX = 4


def setup_inputs(seed: int = 0) -> dict:
    key = jax.random.key(seed)
    k1, k2, k3 = jax.random.split(key, 3)
    # forward arg per input_specs (int64 spec; int32 used for CPU jax default-x64-off compatibility)
    text = jax.random.randint(k1, (B, SEQ), 0, VOCAB, dtype=jnp.int32)
    # learned parameters sized per init_kwargs (mock clip_model config)
    token_embedding = jax.random.normal(k2, (VOCAB, CTX_DIM), dtype=jnp.float32) * 0.02
    ctx = jax.random.normal(k3, (N_CTX, CTX_DIM), dtype=jnp.float32) * 0.02
    return {"text": text, "ctx": ctx, "token_embedding": token_embedding}


def reference(text, ctx, token_embedding):
    # tokens = clip_model.token_embedding(text.long())  (frozen, no_grad)
    tokens = jnp.take(token_embedding, text, axis=0)  # [B, 77, ctx_dim]
    n_ctx = ctx.shape[0]
    Bq = text.shape[0]
    # ctx.unsqueeze(0).expand(B, -1, -1)
    ctx_b = jnp.broadcast_to(ctx[None, :, :], (Bq, n_ctx, ctx.shape[1]))
    # prompts = cat([ctx, tokens[:, 0:77 - n_ctx, :]], dim=1)
    prompts = jnp.concatenate([ctx_b, tokens[:, : SEQ - n_ctx, :]], axis=1)
    return prompts

if __name__ == "__main__":
    import jax
    _d = setup_inputs()
    print(jax.jit(kernel)(*tuple(_d.values())))

</pallas_src>

<mosaic_0001>
#map = affine_map<(d0, d1) -> (0, 0, 0)>
#map1 = affine_map<(d0, d1) -> (0, 0)>
module attributes {stable_mosaic.version = 14 : i64} {
  func.func @_sc_kernel(%arg0: i32, %arg1: i32, %arg2: memref<128x8x80xi32, #tpu.memory_space<hbm>>, %arg3: memref<1x88xi32, #tpu.memory_space<hbm>>, %arg4: memref<4x512xf32, #tpu.memory_space<hbm>>, %arg5: memref<49408x512xf32, #tpu.memory_space<hbm>>, %arg6: memref<1024x77x512xf32, #tpu.memory_space<hbm>>, %arg7: memref<4x8x80xi32, #tpu.memory_space<vmem>>, %arg8: memref<1x88xi32, #tpu.memory_space<vmem>>, %arg9: memref<88x512xf32, #tpu.memory_space<vmem>>, %arg10: memref<88x512xf32, #tpu.memory_space<vmem>>, %arg11: memref<!tpu.dma_semaphore, #tpu.memory_space<semaphore_mem>>, %arg12: memref<!tpu.dma_semaphore, #tpu.memory_space<semaphore_mem>>, %arg13: memref<!tpu.dma_semaphore, #tpu.memory_space<semaphore_mem>>, %arg14: memref<!tpu.dma_semaphore, #tpu.memory_space<semaphore_mem>>) attributes {dimension_semantics = [#tpu.dimension_semantics<core_parallel>, #tpu.dimension_semantics<subcore_parallel>], iteration_bounds = array<i64: 2, 16>, scalar_prefetch = 0 : i64, scratch_operands = 8 : i64, tpu.core_type = #tpu.core_type<sc_vector_subcore>, window_params = [{transform_indices = #map}, {transform_indices = #map1}, {transform_indices = #map1}, {transform_indices = #map1}, {transform_indices = #map}]} {
    %mul3A = arith.constant 2 : i32
    %mul3A_0 = arith.muli %arg1, %mul3A : i32
    %add3A = arith.addi %mul3A_0, %arg0 : i32
    %mul3A_1 = arith.constant 32 : i32
    %mul3A_2 = arith.muli %add3A, %mul3A_1 : i32
    %mul3A_3 = arith.constant 4 : i32
    %mul3A_4 = arith.muli %add3A, %mul3A_3 : i32
    "tpu.region"() ({
      %run_scoped3A = tpu.sem_alloc : memref<!tpu.dma_semaphore, #tpu.memory_space<semaphore_mem>>
      %dma_start3A_37 = arith.constant 0 : i32
      %dma_start3A_38 = arith.constant 0 : i32
      %dma_start3A_39 = tpu.memref_slice %arg2[%mul3A_4, %dma_start3A_37, %dma_start3A_38] : memref<128x8x80xi32, #tpu.memory_space<hbm>> -> memref<4x8x80xi32, #tpu.memory_space<hbm>>
      %dma_start3A_40 = arith.constant 0 : i32
      %dma_start3A_41 = arith.constant 0 : i32
      %dma_start3A_42 = tpu.memref_slice %arg2[%mul3A_4, %dma_start3A_40, %dma_start3A_41] : memref<128x8x80xi32, #tpu.memory_space<hbm>> -> memref<4x8x80xi32, #tpu.memory_space<hbm>>
      tpu.enqueue_dma source(%dma_start3A_42 : memref<4x8x80xi32, #tpu.memory_space<hbm>>) target(%arg7 : memref<4x8x80xi32, #tpu.memory_space<vmem>>) target_semaphore(%run_scoped3A : memref<!tpu.dma_semaphore, #tpu.memory_space<semaphore_mem>>)
      %dma_wait3A = arith.constant 0 : i32
      %dma_wait3A_43 = arith.constant 0 : i32
      %dma_wait3A_44 = tpu.memref_slice %arg2[%mul3A_4, %dma_wait3A, %dma_wait3A_43] : memref<128x8x80xi32, #tpu.memory_space<hbm>> -> memref<4x8x80xi32, #tpu.memory_space<hbm>>
      %dma_wait3A_45 = arith.constant 0 : i32
      %dma_wait3A_46 = arith.constant 0 : i32
      %dma_wait3A_47 = tpu.memref_slice %arg2[%mul3A_4, %dma_wait3A_45, %dma_wait3A_46] : memref<128x8x80xi32, #tpu.memory_space<hbm>> -> memref<4x8x80xi32, #tpu.memory_space<hbm>>
      tpu.wait_dma2 semaphore(%run_scoped3A : memref<!tpu.dma_semaphore, #tpu.memory_space<semaphore_mem>>) src(%dma_wait3A_47 : memref<4x8x80xi32, #tpu.memory_space<hbm>>) dst(%arg7 : memref<4x8x80xi32, #tpu.memory_space<vmem>>)
      tpu.yield
    }) : () -> ()
    "tpu.region"() ({
      %run_scoped3A = tpu.sem_alloc : memref<!tpu.dma_semaphore, #tpu.memory_space<semaphore_mem>>
      tpu.enqueue_dma source(%arg3 : memref<1x88xi32, #tpu.memory_space<hbm>>) target(%arg8 : memref<1x88xi32, #tpu.memory_space<vmem>>) target_semaphore(%run_scoped3A : memref<!tpu.dma_semaphore, #tpu.memory_space<semaphore_mem>>)
      tpu.wait_dma2 semaphore(%run_scoped3A : memref<!tpu.dma_semaphore, #tpu.memory_space<semaphore_mem>>) src(%arg3 : memref<1x88xi32, #tpu.memory_space<hbm>>) dst(%arg8 : memref<1x88xi32, #tpu.memory_space<vmem>>)
      tpu.yield
    }) : () -> ()
    "tpu.region"() ({
      %run_scoped3A = tpu.sem_alloc : memref<!tpu.dma_semaphore, #tpu.memory_space<semaphore_mem>>
      %dma_start3A_37 = arith.constant 80 : i32
      %dma_start3A_38 = arith.constant 0 : i32
      %dma_start3A_39 = tpu.memref_slice %arg9[%dma_start3A_37, %dma_start3A_38] : memref<88x512xf32, #tpu.memory_space<vmem>> -> memref<4x512xf32, #tpu.memory_space<vmem>>
      %dma_start3A_40 = arith.constant 80 : i32
      %dma_start3A_41 = arith.constant 0 : i32
      %dma_start3A_42 = tpu.memref_slice %arg9[%dma_start3A_40, %dma_start3A_41] : memref<88x512xf32, #tpu.memory_space<vmem>> -> memref<4x512xf32, #tpu.memory_space<vmem>>
      tpu.enqueue_dma source(%arg4 : memref<4x512xf32, #tpu.memory_space<hbm>>) target(%dma_start3A_42 : memref<4x512xf32, #tpu.memory_space<vmem>>) target_semaphore(%run_scoped3A : memref<!tpu.dma_semaphore, #tpu.memory_space<semaphore_mem>>)
      %dma_wait3A = arith.constant 80 : i32
      %dma_wait3A_43 = arith.constant 0 : i32
      %dma_wait3A_44 = tpu.memref_slice %arg9[%dma_wait3A, %dma_wait3A_43] : memref<88x512xf32, #tpu.memory_space<vmem>> -> memref<4x512xf32, #tpu.memory_space<vmem>>
      %dma_wait3A_45 = arith.constant 80 : i32
      %dma_wait3A_46 = arith.constant 0 : i32
      %dma_wait3A_47 = tpu.memref_slice %arg9[%dma_wait3A_45, %dma_wait3A_46] : memref<88x512xf32, #tpu.memory_space<vmem>> -> memref<4x512xf32, #tpu.memory_space<vmem>>
      tpu.wait_dma2 semaphore(%run_scoped3A : memref<!tpu.dma_semaphore, #tpu.memory_space<semaphore_mem>>) src(%arg4 : memref<4x512xf32, #tpu.memory_space<hbm>>) dst(%dma_wait3A_47 : memref<4x512xf32, #tpu.memory_space<vmem>>)
      tpu.yield
    }) : () -> ()
    "tpu.region"() ({
      %run_scoped3A = tpu.sem_alloc : memref<!tpu.dma_semaphore, #tpu.memory_space<semaphore_mem>>
      %dma_start3A_37 = arith.constant 84 : i32
      %dma_start3A_38 = arith.constant 0 : i32
      %dma_start3A_39 = tpu.memref_slice %arg9[%dma_start3A_37, %dma_start3A_38] : memref<88x512xf32, #tpu.memory_space<vmem>> -> memref<4x512xf32, #tpu.memory_space<vmem>>
      %dma_start3A_40 = arith.constant 84 : i32
      %dma_start3A_41 = arith.constant 0 : i32
      %dma_start3A_42 = tpu.memref_slice %arg9[%dma_start3A_40, %dma_start3A_41] : memref<88x512xf32, #tpu.memory_space<vmem>> -> memref<4x512xf32, #tpu.memory_space<vmem>>
      tpu.enqueue_dma source(%arg4 : memref<4x512xf32, #tpu.memory_space<hbm>>) target(%dma_start3A_42 : memref<4x512xf32, #tpu.memory_space<vmem>>) target_semaphore(%run_scoped3A : memref<!tpu.dma_semaphore, #tpu.memory_space<semaphore_mem>>)
      %dma_wait3A = arith.constant 84 : i32
      %dma_wait3A_43 = arith.constant 0 : i32
      %dma_wait3A_44 = tpu.memref_slice %arg9[%dma_wait3A, %dma_wait3A_43] : memref<88x512xf32, #tpu.memory_space<vmem>> -> memref<4x512xf32, #tpu.memory_space<vmem>>
      %dma_wait3A_45 = arith.constant 84 : i32
      %dma_wait3A_46 = arith.constant 0 : i32
      %dma_wait3A_47 = tpu.memref_slice %arg9[%dma_wait3A_45, %dma_wait3A_46] : memref<88x512xf32, #tpu.memory_space<vmem>> -> memref<4x512xf32, #tpu.memory_space<vmem>>
      tpu.wait_dma2 semaphore(%run_scoped3A : memref<!tpu.dma_semaphore, #tpu.memory_space<semaphore_mem>>) src(%arg4 : memref<4x512xf32, #tpu.memory_space<hbm>>) dst(%dma_wait3A_47 : memref<4x512xf32, #tpu.memory_space<vmem>>)
      tpu.yield
    }) : () -> ()
    "tpu.region"() ({
      %run_scoped3A = tpu.sem_alloc : memref<!tpu.dma_semaphore, #tpu.memory_space<semaphore_mem>>
      %dma_start3A_37 = arith.constant 80 : i32
      %dma_start3A_38 = arith.constant 0 : i32
      %dma_start3A_39 = tpu.memref_slice %arg10[%dma_start3A_37, %dma_start3A_38] : memref<88x512xf32, #tpu.memory_space<vmem>> -> memref<4x512xf32, #tpu.memory_space<vmem>>
      %dma_start3A_40 = arith.constant 80 : i32
      %dma_start3A_41 = arith.constant 0 : i32
      %dma_start3A_42 = tpu.memref_slice %arg10[%dma_start3A_40, %dma_start3A_41] : memref<88x512xf32, #tpu.memory_space<vmem>> -> memref<4x512xf32, #tpu.memory_space<vmem>>
      tpu.enqueue_dma source(%arg4 : memref<4x512xf32, #tpu.memory_space<hbm>>) target(%dma_start3A_42 : memref<4x512xf32, #tpu.memory_space<vmem>>) target_semaphore(%run_scoped3A : memref<!tpu.dma_semaphore, #tpu.memory_space<semaphore_mem>>)
      %dma_wait3A = arith.constant 80 : i32
      %dma_wait3A_43 = arith.constant 0 : i32
      %dma_wait3A_44 = tpu.memref_slice %arg10[%dma_wait3A, %dma_wait3A_43] : memref<88x512xf32, #tpu.memory_space<vmem>> -> memref<4x512xf32, #tpu.memory_space<vmem>>
      %dma_wait3A_45 = arith.constant 80 : i32
      %dma_wait3A_46 = arith.constant 0 : i32
      %dma_wait3A_47 = tpu.memref_slice %arg10[%dma_wait3A_45, %dma_wait3A_46] : memref<88x512xf32, #tpu.memory_space<vmem>> -> memref<4x512xf32, #tpu.memory_space<vmem>>
      tpu.wait_dma2 semaphore(%run_scoped3A : memref<!tpu.dma_semaphore, #tpu.memory_space<semaphore_mem>>) src(%arg4 : memref<4x512xf32, #tpu.memory_space<hbm>>) dst(%dma_wait3A_47 : memref<4x512xf32, #tpu.memory_space<vmem>>)
      tpu.yield
    }) : () -> ()
    "tpu.region"() ({
      %run_scoped3A = tpu.sem_alloc : memref<!tpu.dma_semaphore, #tpu.memory_space<semaphore_mem>>
      %dma_start3A_37 = arith.constant 84 : i32
      %dma_start3A_38 = arith.constant 0 : i32
      %dma_start3A_39 = tpu.memref_slice %arg10[%dma_start3A_37, %dma_start3A_38] : memref<88x512xf32, #tpu.memory_space<vmem>> -> memref<4x512xf32, #tpu.memory_space<vmem>>
      %dma_start3A_40 = arith.constant 84 : i32
      %dma_start3A_41 = arith.constant 0 : i32
      %dma_start3A_42 = tpu.memref_slice %arg10[%dma_start3A_40, %dma_start3A_41] : memref<88x512xf32, #tpu.memory_space<vmem>> -> memref<4x512xf32, #tpu.memory_space<vmem>>
      tpu.enqueue_dma source(%arg4 : memref<4x512xf32, #tpu.memory_space<hbm>>) target(%dma_start3A_42 : memref<4x512xf32, #tpu.memory_space<vmem>>) target_semaphore(%run_scoped3A : memref<!tpu.dma_semaphore, #tpu.memory_space<semaphore_mem>>)
      %dma_wait3A = arith.constant 84 : i32
      %dma_wait3A_43 = arith.constant 0 : i32
      %dma_wait3A_44 = tpu.memref_slice %arg10[%dma_wait3A, %dma_wait3A_43] : memref<88x512xf32, #tpu.memory_space<vmem>> -> memref<4x512xf32, #tpu.memory_space<vmem>>
      %dma_wait3A_45 = arith.constant 84 : i32
      %dma_wait3A_46 = arith.constant 0 : i32
      %dma_wait3A_47 = tpu.memref_slice %arg10[%dma_wait3A_45, %dma_wait3A_46] : memref<88x512xf32, #tpu.memory_space<vmem>> -> memref<4x512xf32, #tpu.memory_space<vmem>>
      tpu.wait_dma2 semaphore(%run_scoped3A : memref<!tpu.dma_semaphore, #tpu.memory_space<semaphore_mem>>) src(%arg4 : memref<4x512xf32, #tpu.memory_space<hbm>>) dst(%dma_wait3A_47 : memref<4x512xf32, #tpu.memory_space<vmem>>)
      tpu.yield
    }) : () -> ()
    %shift_right_arithmetic3A = arith.constant 0 : i32
    %shift_right_arithmetic3A_5 = arith.constant 3 : i32
    %shift_right_arithmetic3A_6 = arith.shrsi %shift_right_arithmetic3A, %shift_right_arithmetic3A_5 : i32
    %and3A = arith.constant 0 : i32
    %and3A_7 = arith.constant 7 : i32
    %and3A_8 = arith.andi %and3A, %and3A_7 : i32
    %dma_start3A = arith.constant 0 : i32
    %dma_start3A_9 = arith.constant 0 : i32
    %dma_start3A_10 = tpu.memref_slice %arg9[%dma_start3A, %dma_start3A_9] : memref<88x512xf32, #tpu.memory_space<vmem>> -> memref<80x512xf32, #tpu.memory_space<vmem>>
    %dma_start3A_11 = arith.constant 0 : i32
    %dma_start3A_12 = tpu.memref_slice %arg7[%shift_right_arithmetic3A_6, %and3A_8, %dma_start3A_11] : memref<4x8x80xi32, #tpu.memory_space<vmem>> -> memref<1x1x80xi32, #tpu.memory_space<vmem>>
    %dma_start3A_13 = tpu.memref_squeeze %dma_start3A_12 : memref<1x1x80xi32, #tpu.memory_space<vmem>> -> memref<80xi32, #tpu.memory_space<vmem>>
    %dma_start3A_14 = arith.constant 0 : i32
    %dma_start3A_15 = arith.constant 0 : i32
    %dma_start3A_16 = tpu.memref_slice %arg5[%dma_start3A_14, %dma_start3A_15] : memref<49408x512xf32, #tpu.memory_space<hbm>> -> memref<49408x512xf32, #tpu.memory_space<hbm>>
    tpu.enqueue_indirect_dma source(%dma_start3A_16 : memref<49408x512xf32, #tpu.memory_space<hbm>>) target(%dma_start3A_10 : memref<80x512xf32, #tpu.memory_space<vmem>>) offsets(%dma_start3A_13 : memref<80xi32, #tpu.memory_space<vmem>>) semaphore(%arg11 : memref<!tpu.dma_semaphore, #tpu.memory_space<semaphore_mem>>)
    %shift_right_arithmetic3A_17 = arith.constant 1 : i32
    %shift_right_arithmetic3A_18 = arith.constant 3 : i32
    %shift_right_arithmetic3A_19 = arith.shrsi %shift_right_arithmetic3A_17, %shift_right_arithmetic3A_18 : i32
    %and3A_20 = arith.constant 1 : i32
    %and3A_21 = arith.constant 7 : i32
    %and3A_22 = arith.andi %and3A_20, %and3A_21 : i32
    %dma_start3A_23 = arith.constant 0 : i32
    %dma_start3A_24 = arith.constant 0 : i32
    %dma_start3A_25 = tpu.memref_slice %arg10[%dma_start3A_23, %dma_start3A_24] : memref<88x512xf32, #tpu.memory_space<vmem>> -> memref<80x512xf32, #tpu.memory_space<vmem>>
    %dma_start3A_26 = arith.constant 0 : i32
    %dma_start3A_27 = tpu.memref_slice %arg7[%shift_right_arithmetic3A_19, %and3A_22, %dma_start3A_26] : memref<4x8x80xi32, #tpu.memory_space<vmem>> -> memref<1x1x80xi32, #tpu.memory_space<vmem>>
    %dma_start3A_28 = tpu.memref_squeeze %dma_start3A_27 : memref<1x1x80xi32, #tpu.memory_space<vmem>> -> memref<80xi32, #tpu.memory_space<vmem>>
    %dma_start3A_29 = arith.constant 0 : i32
    %dma_start3A_30 = arith.constant 0 : i32
    %dma_start3A_31 = tpu.memref_slice %arg5[%dma_start3A_29, %dma_start3A_30] : memref<49408x512xf32, #tpu.memory_space<hbm>> -> memref<49408x512xf32, #tpu.memory_space<hbm>>
    tpu.enqueue_indirect_dma source(%dma_start3A_31 : memref<49408x512xf32, #tpu.memory_space<hbm>>) target(%dma_start3A_25 : memref<80x512xf32, #tpu.memory_space<vmem>>) offsets(%dma_start3A_28 : memref<80xi32, #tpu.memory_space<vmem>>) semaphore(%arg12 : memref<!tpu.dma_semaphore, #tpu.memory_space<semaphore_mem>>)
    %scan3A = arith.constant 0 : i32
    %scan3A_32 = arith.constant 0 : i32
    %scan3A_33 = arith.constant 8 : i32
    %scan3A_34 = arith.addi %scan3A_32, %scan3A_33 : i32
    %scan3A_35 = arith.constant 1 : i32
    scf.for %scan3A_37 = %scan3A_32 to %scan3A_34 step %scan3A_35  : i32 {
      %mul3A_38 = arith.constant 4 : i32
      %mul3A_39 = arith.muli %scan3A_37, %mul3A_38 : i32
      %ge3A = arith.constant 7 : i32
      %ge3A_40 = arith.cmpi sge, %scan3A_37, %ge3A : i32
      %shift_right_arithmetic3A_41 = arith.constant 3 : i32
      %shift_right_arithmetic3A_42 = arith.shrsi %mul3A_39, %shift_right_arithmetic3A_41 : i32
      %and3A_43 = arith.constant 7 : i32
      %and3A_44 = arith.andi %mul3A_39, %and3A_43 : i32
      %dma_wait3A = arith.constant 0 : i32
      %dma_wait3A_45 = arith.constant 0 : i32
      %dma_wait3A_46 = tpu.memref_slice %arg9[%dma_wait3A, %dma_wait3A_45] : memref<88x512xf32, #tpu.memory_space<vmem>> -> memref<80x512xf32, #tpu.memory_space<vmem>>
      %dma_wait3A_47 = arith.constant 0 : i32
      %dma_wait3A_48 = tpu.memref_slice %arg7[%shift_right_arithmetic3A_42, %and3A_44, %dma_wait3A_47] : memref<4x8x80xi32, #tpu.memory_space<vmem>> -> memref<1x1x80xi32, #tpu.memory_space<vmem>>
      %dma_wait3A_49 = tpu.memref_squeeze %dma_wait3A_48 : memref<1x1x80xi32, #tpu.memory_space<vmem>> -> memref<80xi32, #tpu.memory_space<vmem>>
      %dma_wait3A_50 = arith.constant 0 : i32
      %dma_wait3A_51 = arith.constant 0 : i32
      %dma_wait3A_52 = tpu.memref_slice %arg5[%dma_wait3A_50, %dma_wait3A_51] : memref<49408x512xf32, #tpu.memory_space<hbm>> -> memref<49408x512xf32, #tpu.memory_space<hbm>>
      tpu.wait_indirect_dma semaphore(%arg11 : memref<!tpu.dma_semaphore, #tpu.memory_space<semaphore_mem>>) src(%dma_wait3A_52 : memref<49408x512xf32, #tpu.memory_space<hbm>>) dst(%dma_wait3A_46 : memref<80x512xf32, #tpu.memory_space<vmem>>)
      %add3A_53 = arith.addi %mul3A_2, %mul3A_39 : i32
      %dma_start3A_54 = arith.constant 0 : i32
      %dma_start3A_55 = arith.constant 0 : i32
      %dma_start3A_56 = tpu.memref_slice %arg8[%dma_start3A_54, %dma_start3A_55] : memref<1x88xi32, #tpu.memory_space<vmem>> -> memref<1x88xi32, #tpu.memory_space<vmem>>
      %dma_start3A_57 = tpu.memref_squeeze %dma_start3A_56 : memref<1x88xi32, #tpu.memory_space<vmem>> -> memref<88xi32, #tpu.memory_space<vmem>>
      %dma_start3A_58 = arith.constant 0 : i32
      %dma_start3A_59 = arith.constant 0 : i32
      %dma_start3A_60 = tpu.memref_slice %arg6[%add3A_53, %dma_start3A_58, %dma_start3A_59] : memref<1024x77x512xf32, #tpu.memory_space<hbm>> -> memref<1x77x512xf32, #tpu.memory_space<hbm>>
      %dma_start3A_61 = tpu.memref_squeeze %dma_start3A_60 : memref<1x77x512xf32, #tpu.memory_space<hbm>> -> memref<77x512xf32, #tpu.memory_space<hbm>>
      %dma_start3A_62 = arith.constant 0 : i32
      %dma_start3A_63 = arith.constant 0 : i32
      %dma_start3A_64 = tpu.memref_slice %dma_start3A_61[%dma_start3A_62, %dma_start3A_63] : memref<77x512xf32, #tpu.memory_space<hbm>> -> memref<77x512xf32, #tpu.memory_space<hbm>>
      tpu.enqueue_indirect_dma source(%arg9 : memref<88x512xf32, #tpu.memory_space<vmem>>) target(%dma_start3A_64 : memref<77x512xf32, #tpu.memory_space<hbm>>) offsets(%dma_start3A_57 : memref<88xi32, #tpu.memory_space<vmem>>) semaphore(%arg13 : memref<!tpu.dma_semaphore, #tpu.memory_space<semaphore_mem>>)
      %add3A_65 = arith.constant 1 : i32
      %add3A_66 = arith.addi %mul3A_39, %add3A_65 : i32
      %shift_right_arithmetic3A_67 = arith.constant 3 : i32
      %shift_right_arithmetic3A_68 = arith.shrsi %add3A_66, %shift_right_arithmetic3A_67 : i32
      %and3A_69 = arith.constant 7 : i32
      %and3A_70 = arith.andi %add3A_66, %and3A_69 : i32
      %dma_wait3A_71 = arith.constant 0 : i32
      %dma_wait3A_72 = arith.constant 0 : i32
      %dma_wait3A_73 = tpu.memref_slice %arg10[%dma_wait3A_71, %dma_wait3A_72] : memref<88x512xf32, #tpu.memory_space<vmem>> -> memref<80x512xf32, #tpu.memory_space<vmem>>
      %dma_wait3A_74 = arith.constant 0 : i32
      %dma_wait3A_75 = tpu.memref_slice %arg7[%shift_right_arithmetic3A_68, %and3A_70, %dma_wait3A_74] : memref<4x8x80xi32, #tpu.memory_space<vmem>> -> memref<1x1x80xi32, #tpu.memory_space<vmem>>
      %dma_wait3A_76 = tpu.memref_squeeze %dma_wait3A_75 : memref<1x1x80xi32, #tpu.memory_space<vmem>> -> memref<80xi32, #tpu.memory_space<vmem>>
      %dma_wait3A_77 = arith.constant 0 : i32
      %dma_wait3A_78 = arith.constant 0 : i32
      %dma_wait3A_79 = tpu.memref_slice %arg5[%dma_wait3A_77, %dma_wait3A_78] : memref<49408x512xf32, #tpu.memory_space<hbm>> -> memref<49408x512xf32, #tpu.memory_space<hbm>>
      tpu.wait_indirect_dma semaphore(%arg12 : memref<!tpu.dma_semaphore, #tpu.memory_space<semaphore_mem>>) src(%dma_wait3A_79 : memref<49408x512xf32, #tpu.memory_space<hbm>>) dst(%dma_wait3A_73 : memref<80x512xf32, #tpu.memory_space<vmem>>)
      %add3A_80 = arith.constant 1 : i32
      %add3A_81 = arith.addi %mul3A_39, %add3A_80 : i32
      %add3A_82 = arith.addi %mul3A_2, %add3A_81 : i32
      %dma_start3A_83 = arith.constant 0 : i32
      %dma_start3A_84 = arith.constant 0 : i32
      %dma_start3A_85 = tpu.memref_slice %arg8[%dma_start3A_83, %dma_start3A_84] : memref<1x88xi32, #tpu.memory_space<vmem>> -> memref<1x88xi32, #tpu.memory_space<vmem>>
      %dma_start3A_86 = tpu.memref_squeeze %dma_start3A_85 : memref<1x88xi32, #tpu.memory_space<vmem>> -> memref<88xi32, #tpu.memory_space<vmem>>
      %dma_start3A_87 = arith.constant 0 : i32
      %dma_start3A_88 = arith.constant 0 : i32
      %dma_start3A_89 = tpu.memref_slice %arg6[%add3A_82, %dma_start3A_87, %dma_start3A_88] : memref<1024x77x512xf32, #tpu.memory_space<hbm>> -> memref<1x77x512xf32, #tpu.memory_space<hbm>>
      %dma_start3A_90 = tpu.memref_squeeze %dma_start3A_89 : memref<1x77x512xf32, #tpu.memory_space<hbm>> -> memref<77x512xf32, #tpu.memory_space<hbm>>
      %dma_start3A_91 = arith.constant 0 : i32
      %dma_start3A_92 = arith.constant 0 : i32
      %dma_start3A_93 = tpu.memref_slice %dma_start3A_90[%dma_start3A_91, %dma_start3A_92] : memref<77x512xf32, #tpu.memory_space<hbm>> -> memref<77x512xf32, #tpu.memory_space<hbm>>
      tpu.enqueue_indirect_dma source(%arg10 : memref<88x512xf32, #tpu.memory_space<vmem>>) target(%dma_start3A_93 : memref<77x512xf32, #tpu.memory_space<hbm>>) offsets(%dma_start3A_86 : memref<88xi32, #tpu.memory_space<vmem>>) semaphore(%arg14 : memref<!tpu.dma_semaphore, #tpu.memory_space<semaphore_mem>>)
      %add3A_94 = arith.addi %mul3A_2, %mul3A_39 : i32
      %dma_wait3A_95 = arith.constant 0 : i32
      %dma_wait3A_96 = arith.constant 0 : i32
      %dma_wait3A_97 = tpu.memref_slice %arg8[%dma_wait3A_95, %dma_wait3A_96] : memref<1x88xi32, #tpu.memory_space<vmem>> -> memref<1x88xi32, #tpu.memory_space<vmem>>
      %dma_wait3A_98 = tpu.memref_squeeze %dma_wait3A_97 : memref<1x88xi32, #tpu.memory_space<vmem>> -> memref<88xi32, #tpu.memory_space<vmem>>
      %dma_wait3A_99 = arith.constant 0 : i32
      %dma_wait3A_100 = arith.constant 0 : i32
      %dma_wait3A_101 = tpu.memref_slice %arg6[%add3A_94, %dma_wait3A_99, %dma_wait3A_100] : memref<1024x77x512xf32, #tpu.memory_space<hbm>> -> memref<1x77x512xf32, #tpu.memory_space<hbm>>
      %dma_wait3A_102 = tpu.memref_squeeze %dma_wait3A_101 : memref<1x77x512xf32, #tpu.memory_space<hbm>> -> memref<77x512xf32, #tpu.memory_space<hbm>>
      %dma_wait3A_103 = arith.constant 0 : i32
      %dma_wait3A_104 = arith.constant 0 : i32
      %dma_wait3A_105 = tpu.memref_slice %dma_wait3A_102[%dma_wait3A_103, %dma_wait3A_104] : memref<77x512xf32, #tpu.memory_space<hbm>> -> memref<77x512xf32, #tpu.memory_space<hbm>>
      tpu.wait_indirect_dma semaphore(%arg13 : memref<!tpu.dma_semaphore, #tpu.memory_space<semaphore_mem>>) src(%arg9 : memref<88x512xf32, #tpu.memory_space<vmem>>) dst(%dma_wait3A_105 : memref<77x512xf32, #tpu.memory_space<hbm>>)
      %add3A_106 = arith.constant 2 : i32
      %add3A_107 = arith.addi %mul3A_39, %add3A_106 : i32
      %shift_right_arithmetic3A_108 = arith.constant 3 : i32
      %shift_right_arithmetic3A_109 = arith.shrsi %add3A_107, %shift_right_arithmetic3A_108 : i32
      %and3A_110 = arith.constant 7 : i32
      %and3A_111 = arith.andi %add3A_107, %and3A_110 : i32
      %dma_start3A_112 = arith.constant 0 : i32
      %dma_start3A_113 = arith.constant 0 : i32
      %dma_start3A_114 = tpu.memref_slice %arg9[%dma_start3A_112, %dma_start3A_113] : memref<88x512xf32, #tpu.memory_space<vmem>> -> memref<80x512xf32, #tpu.memory_space<vmem>>
      %dma_start3A_115 = arith.constant 0 : i32
      %dma_start3A_116 = tpu.memref_slice %arg7[%shift_right_arithmetic3A_109, %and3A_111, %dma_start3A_115] : memref<4x8x80xi32, #tpu.memory_space<vmem>> -> memref<1x1x80xi32, #tpu.memory_space<vmem>>
      %dma_start3A_117 = tpu.memref_squeeze %dma_start3A_116 : memref<1x1x80xi32, #tpu.memory_space<vmem>> -> memref<80xi32, #tpu.memory_space<vmem>>
      %dma_start3A_118 = arith.constant 0 : i32
      %dma_start3A_119 = arith.constant 0 : i32
      %dma_start3A_120 = tpu.memref_slice %arg5[%dma_start3A_118, %dma_start3A_119] : memref<49408x512xf32, #tpu.memory_space<hbm>> -> memref<49408x512xf32, #tpu.memory_space<hbm>>
      tpu.enqueue_indirect_dma source(%dma_start3A_120 : memref<49408x512xf32, #tpu.memory_space<hbm>>) target(%dma_start3A_114 : memref<80x512xf32, #tpu.memory_space<vmem>>) offsets(%dma_start3A_117 : memref<80xi32, #tpu.memory_space<vmem>>) semaphore(%arg11 : memref<!tpu.dma_semaphore, #tpu.memory_space<semaphore_mem>>)
      %add3A_121 = arith.constant 1 : i32
      %add3A_122 = arith.addi %mul3A_39, %add3A_121 : i32
      %add3A_123 = arith.addi %mul3A_2, %add3A_122 : i32
      %dma_wait3A_124 = arith.constant 0 : i32
      %dma_wait3A_125 = arith.constant 0 : i32
      %dma_wait3A_126 = tpu.memref_slice %arg8[%dma_wait3A_124, %dma_wait3A_125] : memref<1x88xi32, #tpu.memory_space<vmem>> -> memref<1x88xi32, #tpu.memory_space<vmem>>
      %dma_wait3A_127 = tpu.memref_squeeze %dma_wait3A_126 : memref<1x88xi32, #tpu.memory_space<vmem>> -> memref<88xi32, #tpu.memory_space<vmem>>
      %dma_wait3A_128 = arith.constant 0 : i32
      %dma_wait3A_129 = arith.constant 0 : i32
      %dma_wait3A_130 = tpu.memref_slice %arg6[%add3A_123, %dma_wait3A_128, %dma_wait3A_129] : memref<1024x77x512xf32, #tpu.memory_space<hbm>> -> memref<1x77x512xf32, #tpu.memory_space<hbm>>
      %dma_wait3A_131 = tpu.memref_squeeze %dma_wait3A_130 : memref<1x77x512xf32, #tpu.memory_space<hbm>> -> memref<77x512xf32, #tpu.memory_space<hbm>>
      %dma_wait3A_132 = arith.constant 0 : i32
      %dma_wait3A_133 = arith.constant 0 : i32
      %dma_wait3A_134 = tpu.memref_slice %dma_wait3A_131[%dma_wait3A_132, %dma_wait3A_133] : memref<77x512xf32, #tpu.memory_space<hbm>> -> memref<77x512xf32, #tpu.memory_space<hbm>>
      tpu.wait_indirect_dma semaphore(%arg14 : memref<!tpu.dma_semaphore, #tpu.memory_space<semaphore_mem>>) src(%arg10 : memref<88x512xf32, #tpu.memory_space<vmem>>) dst(%dma_wait3A_134 : memref<77x512xf32, #tpu.memory_space<hbm>>)
      %add3A_135 = arith.constant 3 : i32
      %add3A_136 = arith.addi %mul3A_39, %add3A_135 : i32
      %shift_right_arithmetic3A_137 = arith.constant 3 : i32
      %shift_right_arithmetic3A_138 = arith.shrsi %add3A_136, %shift_right_arithmetic3A_137 : i32
      %and3A_139 = arith.constant 7 : i32
      %and3A_140 = arith.andi %add3A_136, %and3A_139 : i32
      %dma_start3A_141 = arith.constant 0 : i32
      %dma_start3A_142 = arith.constant 0 : i32
      %dma_start3A_143 = tpu.memref_slice %arg10[%dma_start3A_141, %dma_start3A_142] : memref<88x512xf32, #tpu.memory_space<vmem>> -> memref<80x512xf32, #tpu.memory_space<vmem>>
      %dma_start3A_144 = arith.constant 0 : i32
      %dma_start3A_145 = tpu.memref_slice %arg7[%shift_right_arithmetic3A_138, %and3A_140, %dma_start3A_144] : memref<4x8x80xi32, #tpu.memory_space<vmem>> -> memref<1x1x80xi32, #tpu.memory_space<vmem>>
      %dma_start3A_146 = tpu.memref_squeeze %dma_start3A_145 : memref<1x1x80xi32, #tpu.memory_space<vmem>> -> memref<80xi32, #tpu.memory_space<vmem>>
      %dma_start3A_147 = arith.constant 0 : i32
      %dma_start3A_148 = arith.constant 0 : i32
      %dma_start3A_149 = tpu.memref_slice %arg5[%dma_start3A_147, %dma_start3A_148] : memref<49408x512xf32, #tpu.memory_space<hbm>> -> memref<49408x512xf32, #tpu.memory_space<hbm>>
      tpu.enqueue_indirect_dma source(%dma_start3A_149 : memref<49408x512xf32, #tpu.memory_space<hbm>>) target(%dma_start3A_143 : memref<80x512xf32, #tpu.memory_space<vmem>>) offsets(%dma_start3A_146 : memref<80xi32, #tpu.memory_space<vmem>>) semaphore(%arg12 : memref<!tpu.dma_semaphore, #tpu.memory_space<semaphore_mem>>)
      %add3A_150 = arith.constant 2 : i32
      %add3A_151 = arith.addi %mul3A_39, %add3A_150 : i32
      %shift_right_arithmetic3A_152 = arith.constant 3 : i32
      %shift_right_arithmetic3A_153 = arith.shrsi %add3A_151, %shift_right_arithmetic3A_152 : i32
      %and3A_154 = arith.constant 7 : i32
      %and3A_155 = arith.andi %add3A_151, %and3A_154 : i32
      %dma_wait3A_156 = arith.constant 0 : i32
      %dma_wait3A_157 = arith.constant 0 : i32
      %dma_wait3A_158 = tpu.memref_slice %arg9[%dma_wait3A_156, %dma_wait3A_157] : memref<88x512xf32, #tpu.memory_space<vmem>> -> memref<80x512xf32, #tpu.memory_space<vmem>>
      %dma_wait3A_159 = arith.constant 0 : i32
      %dma_wait3A_160 = tpu.memref_slice %arg7[%shift_right_arithmetic3A_153, %and3A_155, %dma_wait3A_159] : memref<4x8x80xi32, #tpu.memory_space<vmem>> -> memref<1x1x80xi32, #tpu.memory_space<vmem>>
      %dma_wait3A_161 = tpu.memref_squeeze %dma_wait3A_160 : memref<1x1x80xi32, #tpu.memory_space<vmem>> -> memref<80xi32, #tpu.memory_space<vmem>>
      %dma_wait3A_162 = arith.constant 0 : i32
      %dma_wait3A_163 = arith.constant 0 : i32
      %dma_wait3A_164 = tpu.memref_slice %arg5[%dma_wait3A_162, %dma_wait3A_163] : memref<49408x512xf32, #tpu.memory_space<hbm>> -> memref<49408x512xf32, #tpu.memory_space<hbm>>
      tpu.wait_indirect_dma semaphore(%arg11 : memref<!tpu.dma_semaphore, #tpu.memory_space<semaphore_mem>>) src(%dma_wait3A_164 : memref<49408x512xf32, #tpu.memory_space<hbm>>) dst(%dma_wait3A_158 : memref<80x512xf32, #tpu.memory_space<vmem>>)
      %add3A_165 = arith.constant 2 : i32
      %add3A_166 = arith.addi %mul3A_39, %add3A_165 : i32
      %add3A_167 = arith.addi %mul3A_2, %add3A_166 : i32
      %dma_start3A_168 = arith.constant 0 : i32
      %dma_start3A_169 = arith.constant 0 : i32
      %dma_start3A_170 = tpu.memref_slice %arg8[%dma_start3A_168, %dma_start3A_169] : memref<1x88xi32, #tpu.memory_space<vmem>> -> memref<1x88xi32, #tpu.memory_space<vmem>>
      %dma_start3A_171 = tpu.memref_squeeze %dma_start3A_170 : memref<1x88xi32, #tpu.memory_space<vmem>> -> memref<88xi32, #tpu.memory_space<vmem>>
      %dma_start3A_172 = arith.constant 0 : i32
      %dma_start3A_173 = arith.constant 0 : i32
      %dma_start3A_174 = tpu.memref_slice %arg6[%add3A_167, %dma_start3A_172, %dma_start3A_173] : memref<1024x77x512xf32, #tpu.memory_space<hbm>> -> memref<1x77x512xf32, #tpu.memory_space<hbm>>
      %dma_start3A_175 = tpu.memref_squeeze %dma_start3A_174 : memref<1x77x512xf32, #tpu.memory_space<hbm>> -> memref<77x512xf32, #tpu.memory_space<hbm>>
      %dma_start3A_176 = arith.constant 0 : i32
      %dma_start3A_177 = arith.constant 0 : i32
      %dma_start3A_178 = tpu.memref_slice %dma_start3A_175[%dma_start3A_176, %dma_start3A_177] : memref<77x512xf32, #tpu.memory_space<hbm>> -> memref<77x512xf32, #tpu.memory_space<hbm>>
      tpu.enqueue_indirect_dma source(%arg9 : memref<88x512xf32, #tpu.memory_space<vmem>>) target(%dma_start3A_178 : memref<77x512xf32, #tpu.memory_space<hbm>>) offsets(%dma_start3A_171 : memref<88xi32, #tpu.memory_space<vmem>>) semaphore(%arg13 : memref<!tpu.dma_semaphore, #tpu.memory_space<semaphore_mem>>)
      %add3A_179 = arith.constant 3 : i32
      %add3A_180 = arith.addi %mul3A_39, %add3A_179 : i32
      %shift_right_arithmetic3A_181 = arith.constant 3 : i32
      %shift_right_arithmetic3A_182 = arith.shrsi %add3A_180, %shift_right_arithmetic3A_181 : i32
      %and3A_183 = arith.constant 7 : i32
      %and3A_184 = arith.andi %add3A_180, %and3A_183 : i32
      %dma_wait3A_185 = arith.constant 0 : i32
      %dma_wait3A_186 = arith.constant 0 : i32
      %dma_wait3A_187 = tpu.memref_slice %arg10[%dma_wait3A_185, %dma_wait3A_186] : memref<88x512xf32, #tpu.memory_space<vmem>> -> memref<80x512xf32, #tpu.memory_space<vmem>>
      %dma_wait3A_188 = arith.constant 0 : i32
      %dma_wait3A_189 = tpu.memref_slice %arg7[%shift_right_arithmetic3A_182, %and3A_184, %dma_wait3A_188] : memref<4x8x80xi32, #tpu.memory_space<vmem>> -> memref<1x1x80xi32, #tpu.memory_space<vmem>>
      %dma_wait3A_190 = tpu.memref_squeeze %dma_wait3A_189 : memref<1x1x80xi32, #tpu.memory_space<vmem>> -> memref<80xi32, #tpu.memory_space<vmem>>
      %dma_wait3A_191 = arith.constant 0 : i32
      %dma_wait3A_192 = arith.constant 0 : i32
      %dma_wait3A_193 = tpu.memref_slice %arg5[%dma_wait3A_191, %dma_wait3A_192] : memref<49408x512xf32, #tpu.memory_space<hbm>> -> memref<49408x512xf32, #tpu.memory_space<hbm>>
      tpu.wait_indirect_dma semaphore(%arg12 : memref<!tpu.dma_semaphore, #tpu.memory_space<semaphore_mem>>) src(%dma_wait3A_193 : memref<49408x512xf32, #tpu.memory_space<hbm>>) dst(%dma_wait3A_187 : memref<80x512xf32, #tpu.memory_space<vmem>>)
      %add3A_194 = arith.constant 3 : i32
      %add3A_195 = arith.addi %mul3A_39, %add3A_194 : i32
      %add3A_196 = arith.addi %mul3A_2, %add3A_195 : i32
      %dma_start3A_197 = arith.constant 0 : i32
      %dma_start3A_198 = arith.constant 0 : i32
      %dma_start3A_199 = tpu.memref_slice %arg8[%dma_start3A_197, %dma_start3A_198] : memref<1x88xi32, #tpu.memory_space<vmem>> -> memref<1x88xi32, #tpu.memory_space<vmem>>
      %dma_start3A_200 = tpu.memref_squeeze %dma_start3A_199 : memref<1x88xi32, #tpu.memory_space<vmem>> -> memref<88xi32, #tpu.memory_space<vmem>>
      %dma_start3A_201 = arith.constant 0 : i32
      %dma_start3A_202 = arith.constant 0 : i32
      %dma_start3A_203 = tpu.memref_slice %arg6[%add3A_196, %dma_start3A_201, %dma_start3A_202] : memref<1024x77x512xf32, #tpu.memory_space<hbm>> -> memref<1x77x512xf32, #tpu.memory_space<hbm>>
      %dma_start3A_204 = tpu.memref_squeeze %dma_start3A_203 : memref<1x77x512xf32, #tpu.memory_space<hbm>> -> memref<77x512xf32, #tpu.memory_space<hbm>>
      %dma_start3A_205 = arith.constant 0 : i32
      %dma_start3A_206 = arith.constant 0 : i32
      %dma_start3A_207 = tpu.memref_slice %dma_start3A_204[%dma_start3A_205, %dma_start3A_206] : memref<77x512xf32, #tpu.memory_space<hbm>> -> memref<77x512xf32, #tpu.memory_space<hbm>>
      tpu.enqueue_indirect_dma source(%arg10 : memref<88x512xf32, #tpu.memory_space<vmem>>) target(%dma_start3A_207 : memref<77x512xf32, #tpu.memory_space<hbm>>) offsets(%dma_start3A_200 : memref<88xi32, #tpu.memory_space<vmem>>) semaphore(%arg14 : memref<!tpu.dma_semaphore, #tpu.memory_space<semaphore_mem>>)
      %add3A_208 = arith.constant 2 : i32
      %add3A_209 = arith.addi %mul3A_39, %add3A_208 : i32
      %add3A_210 = arith.addi %mul3A_2, %add3A_209 : i32
      %dma_wait3A_211 = arith.constant 0 : i32
      %dma_wait3A_212 = arith.constant 0 : i32
      %dma_wait3A_213 = tpu.memref_slice %arg8[%dma_wait3A_211, %dma_wait3A_212] : memref<1x88xi32, #tpu.memory_space<vmem>> -> memref<1x88xi32, #tpu.memory_space<vmem>>
      %dma_wait3A_214 = tpu.memref_squeeze %dma_wait3A_213 : memref<1x88xi32, #tpu.memory_space<vmem>> -> memref<88xi32, #tpu.memory_space<vmem>>
      %dma_wait3A_215 = arith.constant 0 : i32
      %dma_wait3A_216 = arith.constant 0 : i32
      %dma_wait3A_217 = tpu.memref_slice %arg6[%add3A_210, %dma_wait3A_215, %dma_wait3A_216] : memref<1024x77x512xf32, #tpu.memory_space<hbm>> -> memref<1x77x512xf32, #tpu.memory_space<hbm>>
      %dma_wait3A_218 = tpu.memref_squeeze %dma_wait3A_217 : memref<1x77x512xf32, #tpu.memory_space<hbm>> -> memref<77x512xf32, #tpu.memory_space<hbm>>
      %dma_wait3A_219 = arith.constant 0 : i32
      %dma_wait3A_220 = arith.constant 0 : i32
      %dma_wait3A_221 = tpu.memref_slice %dma_wait3A_218[%dma_wait3A_219, %dma_wait3A_220] : memref<77x512xf32, #tpu.memory_space<hbm>> -> memref<77x512xf32, #tpu.memory_space<hbm>>
      tpu.wait_indirect_dma semaphore(%arg13 : memref<!tpu.dma_semaphore, #tpu.memory_space<semaphore_mem>>) src(%arg9 : memref<88x512xf32, #tpu.memory_space<vmem>>) dst(%dma_wait3A_221 : memref<77x512xf32, #tpu.memory_space<hbm>>)
      %not3A = arith.constant true
      %not3A_222 = arith.xori %ge3A_40, %not3A : i1
      %convert_element_type3A = arith.extui %not3A_222 : i1 to i32
      %cond3A = arith.constant 0 : i32
      %cond3A_223 = arith.cmpi ne, %convert_element_type3A, %cond3A : i32
      scf.if %cond3A_223 {
        %add3A_243 = arith.constant 4 : i32
        %add3A_244 = arith.addi %mul3A_39, %add3A_243 : i32
        %shift_right_arithmetic3A_245 = arith.constant 3 : i32
        %shift_right_arithmetic3A_246 = arith.shrsi %add3A_244, %shift_right_arithmetic3A_245 : i32
        %and3A_247 = arith.constant 7 : i32
        %and3A_248 = arith.andi %add3A_244, %and3A_247 : i32
        %dma_start3A_249 = arith.constant 0 : i32
        %dma_start3A_250 = arith.constant 0 : i32
        %dma_start3A_251 = tpu.memref_slice %arg9[%dma_start3A_249, %dma_start3A_250] : memref<88x512xf32, #tpu.memory_space<vmem>> -> memref<80x512xf32, #tpu.memory_space<vmem>>
        %dma_start3A_252 = arith.constant 0 : i32
        %dma_start3A_253 = tpu.memref_slice %arg7[%shift_right_arithmetic3A_246, %and3A_248, %dma_start3A_252] : memref<4x8x80xi32, #tpu.memory_space<vmem>> -> memref<1x1x80xi32, #tpu.memory_space<vmem>>
        %dma_start3A_254 = tpu.memref_squeeze %dma_start3A_253 : memref<1x1x80xi32, #tpu.memory_space<vmem>> -> memref<80xi32, #tpu.memory_space<vmem>>
        %dma_start3A_255 = arith.constant 0 : i32
        %dma_start3A_256 = arith.constant 0 : i32
        %dma_start3A_257 = tpu.memref_slice %arg5[%dma_start3A_255, %dma_start3A_256] : memref<49408x512xf32, #tpu.memory_space<hbm>> -> memref<49408x512xf32, #tpu.memory_space<hbm>>
        tpu.enqueue_indirect_dma source(%dma_start3A_257 : memref<49408x512xf32, #tpu.memory_space<hbm>>) target(%dma_start3A_251 : memref<80x512xf32, #tpu.memory_space<vmem>>) offsets(%dma_start3A_254 : memref<80xi32, #tpu.memory_space<vmem>>) semaphore(%arg11 : memref<!tpu.dma_semaphore, #tpu.memory_space<semaphore_mem>>)
      } else {
      }
      %add3A_224 = arith.constant 3 : i32
      %add3A_225 = arith.addi %mul3A_39, %add3A_224 : i32
      %add3A_226 = arith.addi %mul3A_2, %add3A_225 : i32
      %dma_wait3A_227 = arith.constant 0 : i32
      %dma_wait3A_228 = arith.constant 0 : i32
      %dma_wait3A_229 = tpu.memref_slice %arg8[%dma_wait3A_227, %dma_wait3A_228] : memref<1x88xi32, #tpu.memory_space<vmem>> -> memref<1x88xi32, #tpu.memory_space<vmem>>
      %dma_wait3A_230 = tpu.memref_squeeze %dma_wait3A_229 : memref<1x88xi32, #tpu.memory_space<vmem>> -> memref<88xi32, #tpu.memory_space<vmem>>
      %dma_wait3A_231 = arith.constant 0 : i32
      %dma_wait3A_232 = arith.constant 0 : i32
      %dma_wait3A_233 = tpu.memref_slice %arg6[%add3A_226, %dma_wait3A_231, %dma_wait3A_232] : memref<1024x77x512xf32, #tpu.memory_space<hbm>> -> memref<1x77x512xf32, #tpu.memory_space<hbm>>
      %dma_wait3A_234 = tpu.memref_squeeze %dma_wait3A_233 : memref<1x77x512xf32, #tpu.memory_space<hbm>> -> memref<77x512xf32, #tpu.memory_space<hbm>>
      %dma_wait3A_235 = arith.constant 0 : i32
      %dma_wait3A_236 = arith.constant 0 : i32
      %dma_wait3A_237 = tpu.memref_slice %dma_wait3A_234[%dma_wait3A_235, %dma_wait3A_236] : memref<77x512xf32, #tpu.memory_space<hbm>> -> memref<77x512xf32, #tpu.memory_space<hbm>>
      tpu.wait_indirect_dma semaphore(%arg14 : memref<!tpu.dma_semaphore, #tpu.memory_space<semaphore_mem>>) src(%arg10 : memref<88x512xf32, #tpu.memory_space<vmem>>) dst(%dma_wait3A_237 : memref<77x512xf32, #tpu.memory_space<hbm>>)
      %not3A_238 = arith.constant true
      %not3A_239 = arith.xori %ge3A_40, %not3A_238 : i1
      %convert_element_type3A_240 = arith.extui %not3A_239 : i1 to i32
      %cond3A_241 = arith.constant 0 : i32
      %cond3A_242 = arith.cmpi ne, %convert_element_type3A_240, %cond3A_241 : i32
      scf.if %cond3A_242 {
        %add3A_243 = arith.constant 5 : i32
        %add3A_244 = arith.addi %mul3A_39, %add3A_243 : i32
        %shift_right_arithmetic3A_245 = arith.constant 3 : i32
        %shift_right_arithmetic3A_246 = arith.shrsi %add3A_244, %shift_right_arithmetic3A_245 : i32
        %and3A_247 = arith.constant 7 : i32
        %and3A_248 = arith.andi %add3A_244, %and3A_247 : i32
        %dma_start3A_249 = arith.constant 0 : i32
        %dma_start3A_250 = arith.constant 0 : i32
        %dma_start3A_251 = tpu.memref_slice %arg10[%dma_start3A_249, %dma_start3A_250] : memref<88x512xf32, #tpu.memory_space<vmem>> -> memref<80x512xf32, #tpu.memory_space<vmem>>
        %dma_start3A_252 = arith.constant 0 : i32
        %dma_start3A_253 = tpu.memref_slice %arg7[%shift_right_arithmetic3A_246, %and3A_248, %dma_start3A_252] : memref<4x8x80xi32, #tpu.memory_space<vmem>> -> memref<1x1x80xi32, #tpu.memory_space<vmem>>
        %dma_start3A_254 = tpu.memref_squeeze %dma_start3A_253 : memref<1x1x80xi32, #tpu.memory_space<vmem>> -> memref<80xi32, #tpu.memory_space<vmem>>
        %dma_start3A_255 = arith.constant 0 : i32
        %dma_start3A_256 = arith.constant 0 : i32
        %dma_start3A_257 = tpu.memref_slice %arg5[%dma_start3A_255, %dma_start3A_256] : memref<49408x512xf32, #tpu.memory_space<hbm>> -> memref<49408x512xf32, #tpu.memory_space<hbm>>
        tpu.enqueue_indirect_dma source(%dma_start3A_257 : memref<49408x512xf32, #tpu.memory_space<hbm>>) target(%dma_start3A_251 : memref<80x512xf32, #tpu.memory_space<vmem>>) offsets(%dma_start3A_254 : memref<80xi32, #tpu.memory_space<vmem>>) semaphore(%arg12 : memref<!tpu.dma_semaphore, #tpu.memory_space<semaphore_mem>>)
      } else {
      }
    }
    %scan3A_36 = arith.constant 8 : i32
    return
  }
}

</mosaic_0001>

<sc_bundles>
// kernel: kernel.3.cloned.1.call-start
scs
__scs_entry_jumppad:
0x0: {  	(pc) =	sbr.rel $0x88, $3  }
0x1: {  	(tag) =	ssettag $0x0;
	lr =	simm.s32 $0x1  }
0x2: {  	[smem:$0x3F9E] =	sst lr;
	_ =	strace $0xD0000000  }
0x3: {  	_ = 	snop  }
0x4: {  	_ = 	snop  }
0x5: {  	_ = 	snop  }
0x6: {  	_ = 	snop  }
0x7: {  	_ = 	snop  }
__scs_overlays_trampoline_lowered:
0x8: {  	[smem:$0x3FAD] =	sst s0  }
0x9: {  	[smem:$0x3FAE] =	sst s1  }
0xa: {  	[smem:$0x3FAF] =	sst s2  }
0xb: {  	[smem:$0x3FB0] =	sst s3  }
0xc: {  	[smem:$0x3FB1] =	sst s4  }
0xd: {  	[smem:$0x3FB2] =	sst s5  }
0xe: {  	[smem:$0x3FB3] =	sst s6  }
0xf: {  	[smem:$0x3FB4] =	sst s7  }
0x10: {  	[smem:$0x3FB5] =	sst s8  }
0x11: {  	[smem:$0x3FB6] =	sst s9;
	s0 =	simm.s32 @!p0 $0x0  }
0x12: {  	s1 =	sld [smem:$0x3F9C];
	s0 =	simm.s32 @p0 $0x1  }
0x13: {  	[smem:$0x3FB7] =	sst s0;
	s0 =	simm.s32 @!p1 $0x0  }
0x14: {  	s2 =	sld [smem:$0x3F9B];
	s0 =	simm.s32 @p1 $0x1  }
0x15: {  	[smem:$0x3FB8] =	sst s0;
	s0 =	simm.s32 @!p2 $0x0  }
0x16: {  	s3 =	sld [smem:$0x3FDB];
	s0 =	simm.s32 @p2 $0x1  }
0x17: {  	s4 =	simm.s32 $0x1BF5;
	[smem:$0x3FBA] =	sst s0  }
0x18: {  	s0 =	sld [smem:$0x3F9D];
	_ =	swait.ge [sflag:s4], $0x0  }
0x19: {  	s7 =	sld [smem:$0x3F9E]  }
0x1a: {  	s8 =	sadd.s32 $0xFFFFE003, lr  }
0x1b: {  	s9 =	sadd.s32 $0xFFFFFEF7, lr;
	s5 =	simm.s32 $0xFFFFFFFF;
	p2 =	slt.u32 s8, $0xFFFFF086  }
0x1c: {  	p1 =	slt.u32 s9, $0xF7A;
	s5 =	simm.s32 @!p2 $0x0  }
0x1d: {  	s5 =	simm.s32 @p1 $0x1;
	p0 =	seq.s32 s7, s2  }
0x1e: {  	s7 =	smul.u32 @!p0 $0xF7A, s2;
	p2 =	seq.s32 @!p0 s5, $0x0  }
0x1f: {  	s9 =	smul.u32 $0xF7A, s1;
	s8 =	simm.s32 @!p0 $0x1BF5;
	p2 =	por !p2, p0  }
0x20: {  	[sflag:s8] =	ssyncset.s32 @!p0 $0xFFFFF086;
	s6 =	sadd.s32 @!p0 s3, s7;
	s7 =	simm.s32 @!p0 $0x108  }
0x21: {  	s3 =	sadd.s32 s3, s9;
	s6 =	sadd.s32 @!p0 $0x88, s6;
	s7 =	simm.s32 @p2 $0x1082  }
0x22: {  	[simem:s7], [sflag:s8] =	dma.local @!p0 [hbm:s6], $0xF7A  }
0x23: {  	s9 =	sor.u32 $0xD0000000, s2;
	s6 =	simm.s32 $0x108;
	_ =	swait.ge @!p0 [sflag:s8], $0x0  }
0x24: {  	s3 =	sadd.s32 $0x88, s3;
	s6 =	simm.s32 @!p1 $0x1082;
	[sflag:s4] =	ssyncset.s32 $0xFFFFF086  }
0x25: {  	[simem:s6], [sflag:s4] =	dma.local [hbm:s3], $0xF7A  }
0x26: {  	[smem:$0x3F9E] =	sst s1;
	(tag) =	ssettag s2;
	_ =	strace s9  }
0x27: {  	s1 =	sld [smem:$0x3FAE]  }
0x28: {  	s2 =	sld [smem:$0x3FAF]  }
0x29: {  	s4 =	sld [smem:$0x3FB1]  }
0x2a: {  	p0 =	seq.s32 s5, $0x0;
	s5 =	sld [smem:$0x3FB2]  }
0x2b: {  	s6 =	sld [smem:$0x3FB3]  }
0x2c: {  	s7 =	sld [smem:$0x3FB4]  }
0x2d: {  	s3 =	simm.s32 $0x108;
	s8 =	sld [smem:$0x3FB5]  }
0x2e: {  	s3 =	simm.s32 @!p0 $0x1082;
	s9 =	sld [smem:$0x3FB6]  }
0x2f: {  	lr =	sadd.s32 s0, s3;
	s0 =	sld [smem:$0x3FAD]  }
0x30: {  	s3 =	sld [smem:$0x3FB0]  }
0x31: {  	[smem:$0x3FB9] =	sst s10  }
0x32: {  	s10 =	sld [smem:$0x3FB7];
	_ =	sdelay $0x3  }
0x33: {  	p0 =	seq.s32 s10, $0x1;
	s10 =	sld [smem:$0x3FB9];
	_ =	sdelay $0x3  }
0x34: {  	[smem:$0x3FB9] =	sst s10  }
0x35: {  	s10 =	sld [smem:$0x3FB8];
	_ =	sdelay $0x3  }
0x36: {  	p1 =	seq.s32 s10, $0x1;
	s10 =	sld [smem:$0x3FB9];
	_ =	sdelay $0x3  }
0x37: {  	[smem:$0x3FB9] =	sst s10  }
0x38: {  	s10 =	sld [smem:$0x3FBA]  }
0x39: {  	_ = 	snop;
	(pc) =	sbr.ind lr, $3  }
0x3a: {  	_ = 	snop  }
0x3b: {  	_ = 	snop  }
0x3c: {  	p2 =	seq.s32 s10, $0x1;
	s10 =	sld [smem:$0x3FB9]  }
0x3d: {  	_ =	shalt  }
0x3e: {  	_ =	shalt  }
0x3f: {  	_ =	shalt  }
0x40: {  	_ =	shalt  }
0x41: {  	_ =	shalt  }
0x42: {  	_ =	shalt  }
0x43: {  	_ =	shalt  }
0x44: {  	_ =	shalt  }
0x45: {  	_ =	shalt  }
0x46: {  	_ =	shalt  }
0x47: {  	_ =	shalt  }
0x48: {  	_ =	shalt  }
0x49: {  	_ =	shalt  }
0x4a: {  	_ =	shalt  }
0x4b: {  	_ =	shalt  }
0x4c: {  	_ =	shalt  }
0x4d: {  	_ =	shalt  }
0x4e: {  	_ =	shalt  }
0x4f: {  	_ =	shalt  }
0x50: {  	_ =	shalt  }
0x51: {  	_ =	shalt  }
0x52: {  	_ =	shalt  }
0x53: {  	_ =	shalt  }
0x54: {  	_ =	shalt  }
0x55: {  	_ =	shalt  }
0x56: {  	_ =	shalt  }
0x57: {  	_ =	shalt  }
0x58: {  	_ =	shalt  }
0x59: {  	_ =	shalt  }
0x5a: {  	_ =	shalt  }
0x5b: {  	_ =	shalt  }
0x5c: {  	_ =	shalt  }
0x5d: {  	_ =	shalt  }
0x5e: {  	_ =	shalt  }
0x5f: {  	_ =	shalt  }
0x60: {  	_ =	shalt  }
0x61: {  	_ =	shalt  }
0x62: {  	_ =	shalt  }
0x63: {  	_ =	shalt  }
0x64: {  	_ =	shalt  }
0x65: {  	_ =	shalt  }
0x66: {  	_ =	shalt  }
0x67: {  	_ =	shalt  }
0x68: {  	_ =	shalt  }
0x69: {  	_ =	shalt  }
0x6a: {  	_ =	shalt  }
0x6b: {  	_ =	shalt  }
0x6c: {  	_ =	shalt  }
0x6d: {  	_ =	shalt  }
0x6e: {  	_ =	shalt  }
0x6f: {  	_ =	shalt  }
0x70: {  	_ =	shalt  }
0x71: {  	_ =	shalt  }
0x72: {  	_ =	shalt  }
0x73: {  	_ =	shalt  }
0x74: {  	_ =	shalt  }
0x75: {  	_ =	shalt  }
0x76: {  	_ =	shalt  }
0x77: {  	_ =	shalt  }
0x78: {  	_ =	shalt  }
0x79: {  	_ =	shalt  }
0x7a: {  	_ =	shalt  }
0x7b: {  	_ =	shalt  }
0x7c: {  	_ =	shalt  }
0x7d: {  	_ =	shalt  }
0x7e: {  	_ =	shalt  }
0x7f: {  	_ =	shalt  }
0x80: {  	_ =	shalt  }
0x81: {  	_ =	shalt  }
0x82: {  	_ =	shalt  }
0x83: {  	_ =	shalt  }
0x84: {  	_ =	shalt  }
0x85: {  	_ =	shalt  }
0x86: {  	_ =	shalt  }
0x87: {  	_ =	shalt  }
.Lfunc_end0:
.L_simem_size_0:
called_computation_lowered:
.L_overlay_start_0:
0x88: {  	s2 =	sld [smem:$0x3FD9]  }
0x89: {  	s3 =	sld [smem:$0x3FFE];
	_ =	sdelay $0x1  }
0x8a: {  	s1 =	srdreg.scid  }
0x8b: {  	s0 =	sand.u32 $0x1, s1  }
0x8c: {  	s17 =	sshll.u32 s0, $0xA;
	s2 =	sadd.s32 s3, s2  }
0x8d: {  	s2 =	sadd.s32 s2, s17  }
0x8e: {  	[smem:$0x3FC5] =	sst s2  }
0x8f: {  	_ = 	snop  }
0x90: {  	s2 =	sld [smem:$0x3FC8]  }
0x91: {  	s18 =	sld [smem:$0x3FC7]  }
0x92: {  	s4 =	sld [smem:$0x3FD0];
	(tm) =	ssettm $0x1  }
0x93: {  	s5 =	sld [smem:$0x3FFB];
	_ =	sdelay $0x3  }
0x94: {  	_ =	strace s5  }
0x95: {  	s5 =	sld [smem:$0x3FFC];
	_ =	sdelay $0x3  }
0x96: {  	_ =	strace s5  }
0x97: {  	s5 =	sld [smem:$0x3FFD];
	_ =	sdelay $0x3  }
0x98: {  	_ =	strace s5  }
0x99: {  	_ =	strace $0x8FFFFFFF  }
0x9a: {  	s19 =	sld [smem:$0x3FDB];
	_ =	sdelay $0x1  }
0x9b: {  	s6 =	simm.s32 $_scs_section_size  }
0x9c: {  	s7 =	simm.s32 $_size__tile_overlayer_lowered;
	s8 =	simm.s32 $_tile_overlayer_lowered  }
0x9d: {  	s22 =	simm.s32 $0x1BFF;
	s21 =	sshll.u32 s8, $0x1;
	s5 =	sadd.s32 s6, s19  }
0x9e: {  	s9 =	simm.s32 $0x0;
	s20 =	sshll.u32 s7, $0x1;
	s7 =	sadd.s32 s21, s5  }
0x9f: {  	[timem:s9], [sflag:s22] =	dma.local [hbm:s7], s20  }
0xa0: {  	_ =	swait.ge [sflag:s22], s20  }
0xa1: {  	s6 =	ssub.s32 $0x0, s20;
	[sflag:s22] =	ssyncset.done $0x0  }
0xa2: {  	[sflag:s22] =	ssyncadd.s32 s6;
	_ =	sdelay $0x1  }
0xa3: {  	s23 =	simm.s32 $0x1B8B  }
0xa4: {  	_ =	swait.ge [sflag:s23], $0x1  }
0xa5: {  	[sflag:s23] =	ssyncset.done $0x0  }
0xa6: {  	s25 =	simm.s32 $0x1B8E;
	s24 =	sld [smem:$0x3FFE];
	[sflag:s23] =	ssyncadd.s32 $0xFFFFFFFF  }
0xa7: {  	s26 =	simm.s32 $execute0_lowered;
	[smem:$0x3FD2] =	sst s25  }
0xa8: {  	s7 =	sshll.u32 s26, $0x1;
	_ =	strace $0x80000046;
	[dreg:$0x1] =	wrdreg $0xFFFFFFFF  }
0xa9: {  	s28 =	simm.s32 $_size_execute0_lowered;
	s5 =	sadd.s32 s5, s7;
	[dreg:$0x0] =	wrdreg $0x0  }
0xaa: {  	s7 =	sshll.u32 s28, $0x1;
	[dreg:$0x2] =	wrdreg s5  }
0xab: {  	[dreg:$0x3] =	wrdreg s7  }
0xac: {  	[dreg:$0x4] =	wrdreg $0xC0  }
0xad: {  	_ =	task [dreg:s9], $0x5FFFF  }
0xae: {  	[dreg:$0x1] =	wrdreg $0xFFFFFFFF  }
0xaf: {  	[dreg:$0x0] =	wrdreg $0x60  }
0xb0: {  	[dreg:$0x2] =	wrdreg s4  }
0xb1: {  	[dreg:$0x3] =	wrdreg s24  }
0xb2: {  	[dreg:$0x4] =	wrdreg s2  }
0xb3: {  	[dreg:$0x5] =	wrdreg s18  }
0xb4: {  	[dreg:$0x6] =	wrdreg $0x9  }
0xb5: {  	_ =	task.clear_ibuf [dreg:s9], $0x7FFFF;
	_ =	strace $0x90000046  }
0xb6: {  	s29 =	simm.s32 $0x9;
	_ =	strace $0x80000048  }
0xb7: {  	_ =	swait.ge [sflag:s29], $0x1  }
0xb8: {  	[sflag:s29] =	ssyncadd.s32 $0xFFFFFFFF  }
0xb9: {  	_ =	strace $0x90000048  }
0xba: {  	_ =	sfence  }
0xbb: {  	s30 =	sld [smem:$0x0];
	_ =	sdelay $0x2  }
0xbc: {  	s31 =	sshll.u32 s1, $0xD;
	s1 =	sshrl.u32 s1, $0x2  }
0xbd: {  	s3 =	sand.u32 $0x4000, s31;
	s1 =	sadd.s32 s1, s30  }
0xbe: {  	s0 =	sor.u32 s3, s0;
	s1 =	sshll.u32 s1, $0x11  }
0xbf: {  	s0 =	sor.u32 s1, s0  }
0xc0: {  	s0 =	sadd.s32 $0x8F2B, s0  }
0xc1: {  	[sflag:s0] =	ssyncadd.remote.s32 $0x1  }
0xc2: {  	_ =	sfence.sel $0xFFFF  }
0xc3: {  	[dreg:$0x0] =	wrdreg $0xFFFFFFFF;
	(pc) =	sbr.abs _section_cstart, $3  }
0xc4: {  	[dreg:$0x1] =	wrdreg $0xFFFFFFFF  }
0xc5: {  	_ =	task.clear_ibuf [dreg:s9], $0x2FFFF;
	_ =	strace $0x9FFFFFFF  }
0xc6: {  	(tm) =	ssettm $0x7FFFFFFF  }
0xc7: {  	_ =	shalt  }
tec
execute0_lowered:
.L_overlay_start_1:
0x0: {  	(tag) =	ssettag $0x1  }
0x1: {  	s0 =	rddreg [dreg:$0x0]  }
0x2: {  	s1 =	rddreg [dreg:$0x1]  }
0x3: {  	s9 =	rddreg [dreg:$0x2]  }
0x4: {  	s3 =	rddreg [dreg:$0x3];
	s4 =	simm.s32 $0x0  }
0x5: {  	s6 =	stileid.u32;
	s5 =	srdreg.scid;
	s10 =	simm.s32 $0xB880  }
0x6: {  	s11 =	simm.s32 $0x16080;
	s13 =	simm.s32 $0x16880;
	s12 =	simm.s32 $0x1080  }
0x7: {  	s15 =	simm.s32 $0x1880;
	s21 =	simm.s32 $0x2080;
	s14 =	simm.s32 $0x4080  }
0x8: {  	s16 =	simm.s32 $0x4880;
	s17 =	simm.s32 $0x5080;
	s18 =	simm.s32 $0x5880  }
0x9: {  	s19 =	simm.s32 $0x6080;
	s20 =	simm.s32 $0x6880;
	s30 =	simm.s32 $0x9880  }
0xa: {  	s31 =	simm.s32 $0xA880;
	[smem:$0x7FF] =	sst s4;
	s2 =	smul.u32 $0x50000, s6  }
0xb: {  	s7 =	sadd.s32 $0x400, s1;
	s22 =	sand.u32 $0x1, s5;
	s6 =	sshll.u32 s6, $0xA  }
0xc: {  	s25 =	sadd.s32 $0x40, s9;
	_ =	strace $0x80000047;
	[dreg:$0x5] =	wrdreg s7  }
0xd: {  	s28 =	sadd.s32 $0x80, s9;
	s29 =	sadd.s32 $0xC0, s9;
	[dreg:$0x8] =	wrdreg s25  }
0xe: {  	s9 =	simm.s32 $0xB080;
	s5 =	ssub.s32 $0x2, s22;
	[dreg:$0x9] =	wrdreg s28  }
0xf: {  	s23 =	sshll.u32 s22, $0x9;
	s7 =	sadd.s32 $0x100, s3;
	[dreg:$0xa] =	wrdreg s29  }
0x10: {  	s25 =	simm.s32 $0x8880;
	s1 =	sadd.s32 s2, s1;
	s8 =	sshrl.u32 s5, $0x1  }
0x11: {  	s6 =	sor.u32 s23, s6;
	s2 =	smul.u32 $0x28000, s22;
	s22 =	simm.s32 $0x7080  }
.Ltmp0:
0x12: {  	s5 =	ssub.s32 s5, s8;
	s0 =	sadd.s32 s0, s6;
	(pc) =	sbr.rel .LBB2_1-.Ltmp0, $4  }
0x13: {  	s23 =	simm.s32 $0x7880;
	[dreg:$0x6] =	wrdreg s0;
	s24 =	smax.u32 s5, $0x1  }
0x14: {  	v2 =	vlaneseq.u32;
	s26 =	sadd.s32 s2, s1;
	s1 =	simm.s32 $0x3080;
	s5 =	simm.s32 $0x0  }
0x15: {  	vm0 =	vmmov $0xffff;
	v1 =	vshrl.u32 v2, $0x3;
	[dreg:$0x7] =	wrdreg s24;
	s0 =	sadd.s32 $0x600, s26;
	s26 =	simm.s32 $0x3880  }
0x16: {  	v0 =	vand.u32 $0x7, v2;
	v2 =	vor.u32 $0x8, v2;
	v1 =	vmul.u32 $0x8, v1;
	s24 =	simm.s32 $0x8080;
	[dreg:$0xb] =	wrdreg s0;
	s0 =	simm.s32 $0x2880  }
.LBB2_4:
0x17: {  	s0 =	simm.s32 $0x4  }
0x18: {  	s12 =	simm.s32 $0x1080;
	_ =	swait.ge [sflag:s0], $0xB000  }
0x19: {  	s15 =	simm.s32 $0x1880;
	s21 =	simm.s32 $0x2080;
	s5 =	rddreg [dreg:$0xc]  }
0x1a: {  	s1 =	simm.s32 $0x3080;
	s2 =	rddreg [dreg:$0x7];
	s5 =	sadd.s32 $0x1, s5  }
0x1b: {  	s26 =	simm.s32 $0x3880;
	s14 =	simm.s32 $0x4080;
	p0 =	sne.s32 s5, s2  }
.Ltmp1:
0x1c: {  	s16 =	simm.s32 $0x4880;
	s17 =	simm.s32 $0x5080;
	(pc) =	sbr.rel @!p0 .LBB2_5-.Ltmp1, $4  }
0x1d: {  	s18 =	simm.s32 $0x5880;
	s19 =	simm.s32 $0x6080;
	s20 =	simm.s32 $0x6880  }
0x1e: {  	s22 =	simm.s32 $0x7080;
	s23 =	simm.s32 $0x7880;
	s24 =	simm.s32 $0x8080  }
0x1f: {  	s25 =	simm.s32 $0x8880;
	s30 =	simm.s32 $0x9880;
	[sflag:s0] =	ssyncset.done $0x0  }
0x20: {  	s31 =	simm.s32 $0xA880;
	[sflag:s0] =	ssyncadd.s32 $0xFFFF5000;
	s0 =	simm.s32 $0x2880  }
.LBB2_1:
0x21: {  	[dreg:$0xc] =	wrdreg s5  }
0x22: {  	s2 =	rddreg [dreg:$0x6];
	s5 =	simm.s32 $0x5  }
0x23: {  	[tilespmem:s4], [sflag:$0x5] =	stream.linear.gather [hbm4b:s2+s4], $0x1000, $0x38;
	[tilespmem:$0x17080] =	vst v63  }
0x24: {  	_ =	swait.ge [sflag:s5], $0x1000  }
0x25: {  	[sflag:s5] =	ssyncset.done $0x0  }
0x26: {  	s6 =	simm.s32 $0x1000;
	s8 =	rddreg [dreg:$0x5];
	[sflag:s5] =	ssyncadd.s32 $0xFFFFF000  }
0x27: {  	[tilespmem:s6], [sflag:$0x5] =	stream.linear.gather [hbm4b:s8+s4], $0x80, $0x38;
	[tilespmem:$0x17080] =	vst v63  }
0x28: {  	_ =	swait.ge [sflag:s5], $0x80  }
0x29: {  	[sflag:s5] =	ssyncset.done $0x0  }
0x2a: {  	[sflag:s5] =	ssyncadd.s32 $0xFFFFFF80  }
0x2b: {  	s2 =	rddreg [dreg:$0x2]  }
0x2c: {  	[tilespmem:s9], [sflag:$0x5] =	stream.linear.gather [hbm4b:s2+s4], $0x200, $0x38;
	[tilespmem:$0x17080] =	vst v63  }
0x2d: {  	s8 =	simm.s32 $0xB480;
	s6 =	rddreg [dreg:$0x8]  }
0x2e: {  	[tilespmem:s8], [sflag:$0x5] =	stream.linear.gather [hbm4b:s6+s4], $0x200, $0x38;
	[tilespmem:$0x17080] =	vst v63  }
0x2f: {  	s8 =	rddreg [dreg:$0x9]  }
0x30: {  	[tilespmem:s10], [sflag:$0x5] =	stream.linear.gather [hbm4b:s8+s4], $0x200, $0x38;
	[tilespmem:$0x17080] =	vst v63  }
0x31: {  	s29 =	simm.s32 $0xBC80;
	s9 =	rddreg [dreg:$0xa]  }
0x32: {  	[tilespmem:s29], [sflag:$0x5] =	stream.linear.gather [hbm4b:s9+s4], $0x200, $0x38;
	[tilespmem:$0x17080] =	vst v63  }
0x33: {  	_ =	swait.ge [sflag:s5], $0x800  }
0x34: {  	[sflag:s5] =	ssyncset.done $0x0  }
0x35: {  	s29 =	simm.s32 $0xB280;
	[sflag:s5] =	ssyncadd.s32 $0xFFFFF800  }
0x36: {  	[tilespmem:s29], [sflag:$0x5] =	stream.linear.gather [hbm4b:s2+s4], $0x200, $0x38;
	[tilespmem:$0x17080] =	vst v63  }
0x37: {  	s29 =	simm.s32 $0xB680  }
0x38: {  	[tilespmem:s29], [sflag:$0x5] =	stream.linear.gather [hbm4b:s6+s4], $0x200, $0x38;
	[tilespmem:$0x17080] =	vst v63  }
0x39: {  	s29 =	simm.s32 $0xBA80  }
0x3a: {  	[tilespmem:s29], [sflag:$0x5] =	stream.linear.gather [hbm4b:s8+s4], $0x200, $0x38;
	[tilespmem:$0x17080] =	vst v63  }
0x3b: {  	s29 =	simm.s32 $0xBE80  }
0x3c: {  	[tilespmem:s29], [sflag:$0x5] =	stream.linear.gather [hbm4b:s9+s4], $0x200, $0x38;
	[tilespmem:$0x17080] =	vst v63  }
0x3d: {  	_ =	swait.ge [sflag:s5], $0x800  }
0x3e: {  	[sflag:s5] =	ssyncset.done $0x0  }
0x3f: {  	[sflag:s5] =	ssyncadd.s32 $0xFFFFF800  }
0x40: {  	[tilespmem:s11], [sflag:$0x5] =	stream.linear.gather [hbm4b:s2+s4], $0x200, $0x38;
	[tilespmem:$0x17080] =	vst v63  }
0x41: {  	s29 =	simm.s32 $0x16480  }
0x42: {  	[tilespmem:s29], [sflag:$0x5] =	stream.linear.gather [hbm4b:s6+s4], $0x200, $0x38;
	[tilespmem:$0x17080] =	vst v63  }
0x43: {  	_ = 	snop  }
0x44: {  	[tilespmem:s13], [sflag:$0x5] =	stream.linear.gather [hbm4b:s8+s4], $0x200, $0x38;
	[tilespmem:$0x17080] =	vst v63  }
0x45: {  	s11 =	simm.s32 $0x16C80  }
0x46: {  	[tilespmem:s11], [sflag:$0x5] =	stream.linear.gather [hbm4b:s9+s4], $0x200, $0x38;
	[tilespmem:$0x17080] =	vst v63  }
0x47: {  	_ =	swait.ge [sflag:s5], $0x800  }
0x48: {  	[sflag:s5] =	ssyncset.done $0x0  }
0x49: {  	s13 =	simm.s32 $0x16280;
	[sflag:s5] =	ssyncadd.s32 $0xFFFFF800  }
0x4a: {  	[tilespmem:s13], [sflag:$0x5] =	stream.linear.gather [hbm4b:s2+s4], $0x200, $0x38;
	[tilespmem:$0x17080] =	vst v63  }
0x4b: {  	s29 =	simm.s32 $0x16680  }
0x4c: {  	[tilespmem:s29], [sflag:$0x5] =	stream.linear.gather [hbm4b:s6+s4], $0x200, $0x38;
	[tilespmem:$0x17080] =	vst v63  }
0x4d: {  	s6 =	simm.s32 $0x16A80  }
0x4e: {  	[tilespmem:s6], [sflag:$0x5] =	stream.linear.gather [hbm4b:s8+s4], $0x200, $0x38;
	[tilespmem:$0x17080] =	vst v63  }
0x4f: {  	s8 =	simm.s32 $0x16E80  }
0x50: {  	[tilespmem:s8], [sflag:$0x5] =	stream.linear.gather [hbm4b:s9+s4], $0x200, $0x38;
	[tilespmem:$0x17080] =	vst v63  }
0x51: {  	_ =	swait.ge [sflag:s5], $0x800  }
0x52: {  	[sflag:s5] =	ssyncset.done $0x0  }
0x53: {  	[sflag:s5] =	ssyncadd.s32 $0xFFFFF800  }
0x54: {  	v3 =	vld [tilespmem:$0x0];
	_ =	sdelay $0x4  }
0x55: {  	v4 =	vshll.u32 v3, $0x2  }
0x56: {  	v3 =	vand.u32 $0x7, v3;
	v4 =	vand.u32 $0xFFFFFFE0, v4  }
0x57: {  	v3 =	vor.u32 v3, v4  }
0x58: {  	v4 =	vperm.xlane v3, v0;
	_ =	sdelay $0x1  }
0x59: {  	v4 =	vadd.s32 v1, v4;
	_ =	sdelay $0x1  }
0x5a: {  	v3 =	vperm.xlane v3, v2;
	_ =	sdelay $0x1  }
0x5b: {  	v3 =	vadd.s32 v1, v3  }
0x5c: {  	[tilespmem:s12], [sflag:$0x1] =	stream.indirect_vreg.gather [hbm4b:s3+s4], $0x80, v4, vm0, $0xb8;
	[tilespmem:$0x17080] =	vst v63  }
0x5d: {  	_ = 	snop  }
0x5e: {  	[tilespmem:s15], [sflag:$0x1] =	stream.indirect_vreg.gather [hbm4b:s7+s4], $0x80, v4, vm0, $0xb8;
	[tilespmem:$0x17080] =	vst v63  }
0x5f: {  	_ = 	snop  }
0x60: {  	[tilespmem:s21], [sflag:$0x1] =	stream.indirect_vreg.gather [hbm4b:s3+s4], $0x80, v3, vm0, $0xb8;
	[tilespmem:$0x17080] =	vst v63  }
0x61: {  	_ = 	snop  }
0x62: {  	[tilespmem:s0], [sflag:$0x1] =	stream.indirect_vreg.gather [hbm4b:s7+s4], $0x80, v3, vm0, $0xb8;
	[tilespmem:$0x17080] =	vst v63  }
0x63: {  	v3 =	vld [tilespmem:$0x10];
	_ =	sdelay $0x4  }
0x64: {  	v55 =	vshll.u32 v3, $0x2  }
0x65: {  	v3 =	vand.u32 $0x7, v3;
	v4 =	vand.u32 $0xFFFFFFE0, v55  }
0x66: {  	v3 =	vor.u32 v3, v4  }
0x67: {  	v4 =	vperm.xlane v3, v0;
	_ =	sdelay $0x1  }
0x68: {  	v4 =	vadd.s32 v1, v4;
	_ =	sdelay $0x1  }
0x69: {  	v3 =	vperm.xlane v3, v2;
	_ =	sdelay $0x1  }
0x6a: {  	v3 =	vadd.s32 v1, v3  }
0x6b: {  	[tilespmem:s1], [sflag:$0x1] =	stream.indirect_vreg.gather [hbm4b:s3+s4], $0x80, v4, vm0, $0xb8;
	[tilespmem:$0x17080] =	vst v63  }
0x6c: {  	_ = 	snop  }
0x6d: {  	[tilespmem:s26], [sflag:$0x1] =	stream.indirect_vreg.gather [hbm4b:s7+s4], $0x80, v4, vm0, $0xb8;
	[tilespmem:$0x17080] =	vst v63  }
0x6e: {  	_ = 	snop  }
0x6f: {  	[tilespmem:s14], [sflag:$0x1] =	stream.indirect_vreg.gather [hbm4b:s3+s4], $0x80, v3, vm0, $0xb8;
	[tilespmem:$0x17080] =	vst v63  }
0x70: {  	_ = 	snop  }
0x71: {  	[tilespmem:s16], [sflag:$0x1] =	stream.indirect_vreg.gather [hbm4b:s7+s4], $0x80, v3, vm0, $0xb8;
	[tilespmem:$0x17080] =	vst v63  }
0x72: {  	v3 =	vld [tilespmem:$0x20];
	_ =	sdelay $0x4  }
0x73: {  	v56 =	vshll.u32 v3, $0x2  }
0x74: {  	v3 =	vand.u32 $0x7, v3;
	v4 =	vand.u32 $0xFFFFFFE0, v56  }
0x75: {  	v3 =	vor.u32 v3, v4  }
0x76: {  	v4 =	vperm.xlane v3, v0;
	_ =	sdelay $0x1  }
0x77: {  	v4 =	vadd.s32 v1, v4;
	_ =	sdelay $0x1  }
0x78: {  	v3 =	vperm.xlane v3, v2;
	_ =	sdelay $0x1  }
0x79: {  	v3 =	vadd.s32 v1, v3  }
0x7a: {  	[tilespmem:s17], [sflag:$0x1] =	stream.indirect_vreg.gather [hbm4b:s3+s4], $0x80, v4, vm0, $0xb8;
	[tilespmem:$0x17080] =	vst v63  }
0x7b: {  	_ = 	snop  }
0x7c: {  	[tilespmem:s18], [sflag:$0x1] =	stream.indirect_vreg.gather [hbm4b:s7+s4], $0x80, v4, vm0, $0xb8;
	[tilespmem:$0x17080] =	vst v63  }
0x7d: {  	_ = 	snop  }
0x7e: {  	[tilespmem:s19], [sflag:$0x1] =	stream.indirect_vreg.gather [hbm4b:s3+s4], $0x80, v3, vm0, $0xb8;
	[tilespmem:$0x17080] =	vst v63  }
0x7f: {  	_ = 	snop  }
0x80: {  	[tilespmem:s20], [sflag:$0x1] =	stream.indirect_vreg.gather [hbm4b:s7+s4], $0x80, v3, vm0, $0xb8;
	[tilespmem:$0x17080] =	vst v63  }
0x81: {  	v3 =	vld [tilespmem:$0x30];
	_ =	sdelay $0x4  }
0x82: {  	v57 =	vshll.u32 v3, $0x2  }
0x83: {  	v3 =	vand.u32 $0x7, v3;
	v4 =	vand.u32 $0xFFFFFFE0, v57  }
0x84: {  	v3 =	vor.u32 v3, v4  }
0x85: {  	v4 =	vperm.xlane v3, v0;
	_ =	sdelay $0x1  }
0x86: {  	v4 =	vadd.s32 v1, v4;
	_ =	sdelay $0x1  }
0x87: {  	v3 =	vperm.xlane v3, v2;
	_ =	sdelay $0x1  }
0x88: {  	v3 =	vadd.s32 v1, v3  }
0x89: {  	[tilespmem:s22], [sflag:$0x1] =	stream.indirect_vreg.gather [hbm4b:s3+s4], $0x80, v4, vm0, $0xb8;
	[tilespmem:$0x17080] =	vst v63  }
0x8a: {  	_ = 	snop  }
0x8b: {  	[tilespmem:s23], [sflag:$0x1] =	stream.indirect_vreg.gather [hbm4b:s7+s4], $0x80, v4, vm0, $0xb8;
	[tilespmem:$0x17080] =	vst v63  }
0x8c: {  	_ = 	snop  }
0x8d: {  	[tilespmem:s24], [sflag:$0x1] =	stream.indirect_vreg.gather [hbm4b:s3+s4], $0x80, v3, vm0, $0xb8;
	[tilespmem:$0x17080] =	vst v63  }
0x8e: {  	_ = 	snop  }
0x8f: {  	[tilespmem:s25], [sflag:$0x1] =	stream.indirect_vreg.gather [hbm4b:s7+s4], $0x80, v3, vm0, $0xb8;
	[tilespmem:$0x17080] =	vst v63  }
0x90: {  	v3 =	vld [tilespmem:$0x40];
	_ =	sdelay $0x4  }
0x91: {  	v58 =	vshll.u32 v3, $0x2  }
0x92: {  	v3 =	vand.u32 $0x7, v3;
	v4 =	vand.u32 $0xFFFFFFE0, v58  }
0x93: {  	v3 =	vor.u32 v3, v4  }
0x94: {  	v4 =	vperm.xlane v3, v0;
	_ =	sdelay $0x1  }
0x95: {  	v4 =	vadd.s32 v1, v4;
	_ =	sdelay $0x1  }
0x96: {  	v3 =	vperm.xlane v3, v2;
	_ =	sdelay $0x1  }
0x97: {  	s9 =	simm.s32 $0x9080;
	v3 =	vadd.s32 v1, v3  }
0x98: {  	[tilespmem:s9], [sflag:$0x1] =	stream.indirect_vreg.gather [hbm4b:s3+s4], $0x80, v4, vm0, $0xb8;
	[tilespmem:$0x17080] =	vst v63  }
0x99: {  	_ = 	snop  }
0x9a: {  	[tilespmem:s30], [sflag:$0x1] =	stream.indirect_vreg.gather [hbm4b:s7+s4], $0x80, v4, vm0, $0xb8;
	[tilespmem:$0x17080] =	vst v63  }
0x9b: {  	s10 =	simm.s32 $0xA080  }
0x9c: {  	[tilespmem:s10], [sflag:$0x1] =	stream.indirect_vreg.gather [hbm4b:s3+s4], $0x80, v3, vm0, $0xb8;
	[tilespmem:$0x17080] =	vst v63  }
0x9d: {  	_ = 	snop  }
0x9e: {  	[tilespmem:s31], [sflag:$0x1] =	stream.indirect_vreg.gather [hbm4b:s7+s4], $0x80, v3, vm0, $0xb8;
	[tilespmem:$0x17080] =	vst v63  }
0x9f: {  	v3 =	vld [tilespmem:$0x80];
	_ =	sdelay $0x4  }
0xa0: {  	v59 =	vshll.u32 v3, $0x2  }
0xa1: {  	v3 =	vand.u32 $0x7, v3;
	v4 =	vand.u32 $0xFFFFFFE0, v59  }
0xa2: {  	v3 =	vor.u32 v3, v4  }
0xa3: {  	v4 =	vperm.xlane v3, v0;
	_ =	sdelay $0x1  }
0xa4: {  	v4 =	vadd.s32 v1, v4;
	_ =	sdelay $0x1  }
0xa5: {  	v3 =	vperm.xlane v3, v2;
	_ =	sdelay $0x1  }
0xa6: {  	s2 =	simm.s32 $0xC080;
	v3 =	vadd.s32 v1, v3  }
0xa7: {  	[tilespmem:s2], [sflag:$0x2] =	stream.indirect_vreg.gather [hbm4b:s3+s4], $0x80, v4, vm0, $0xb8;
	[tilespmem:$0x17080] =	vst v63  }
0xa8: {  	s9 =	simm.s32 $0xC880  }
0xa9: {  	[tilespmem:s9], [sflag:$0x2] =	stream.indirect_vreg.gather [hbm4b:s7+s4], $0x80, v4, vm0, $0xb8;
	[tilespmem:$0x17080] =	vst v63  }
0xaa: {  	s13 =	simm.s32 $0xD080  }
0xab: {  	[tilespmem:s13], [sflag:$0x2] =	stream.indirect_vreg.gather [hbm4b:s3+s4], $0x80, v3, vm0, $0xb8;
	[tilespmem:$0x17080] =	vst v63  }
0xac: {  	s11 =	simm.s32 $0xD880  }
0xad: {  	[tilespmem:s11], [sflag:$0x2] =	stream.indirect_vreg.gather [hbm4b:s7+s4], $0x80, v3, vm0, $0xb8;
	[tilespmem:$0x17080] =	vst v63  }
0xae: {  	v3 =	vld [tilespmem:$0x90];
	_ =	sdelay $0x4  }
0xaf: {  	v60 =	vshll.u32 v3, $0x2  }
0xb0: {  	v3 =	vand.u32 $0x7, v3;
	v4 =	vand.u32 $0xFFFFFFE0, v60  }
0xb1: {  	v3 =	vor.u32 v3, v4  }
0xb2: {  	v4 =	vperm.xlane v3, v0;
	_ =	sdelay $0x1  }
0xb3: {  	v4 =	vadd.s32 v1, v4;
	_ =	sdelay $0x1  }
0xb4: {  	v3 =	vperm.xlane v3, v2;
	_ =	sdelay $0x1  }
0xb5: {  	s29 =	simm.s32 $0xE080;
	v3 =	vadd.s32 v1, v3  }
0xb6: {  	[tilespmem:s29], [sflag:$0x2] =	stream.indirect_vreg.gather [hbm4b:s3+s4], $0x80, v4, vm0, $0xb8;
	[tilespmem:$0x17080] =	vst v63  }
0xb7: {  	s6 =	simm.s32 $0xE880  }
0xb8: {  	[tilespmem:s6], [sflag:$0x2] =	stream.indirect_vreg.gather [hbm4b:s7+s4], $0x80, v4, vm0, $0xb8;
	[tilespmem:$0x17080] =	vst v63  }
0xb9: {  	s8 =	simm.s32 $0xF080  }
0xba: {  	[tilespmem:s8], [sflag:$0x2] =	stream.indirect_vreg.gather [hbm4b:s3+s4], $0x80, v3, vm0, $0xb8;
	[tilespmem:$0x17080] =	vst v63  }
0xbb: {  	s10 =	simm.s32 $0xF880  }
0xbc: {  	[tilespmem:s10], [sflag:$0x2] =	stream.indirect_vreg.gather [hbm4b:s7+s4], $0x80, v3, vm0, $0xb8;
	[tilespmem:$0x17080] =	vst v63  }
0xbd: {  	v3 =	vld [tilespmem:$0xA0];
	_ =	sdelay $0x4  }
0xbe: {  	v61 =	vshll.u32 v3, $0x2  }
0xbf: {  	v3 =	vand.u32 $0x7, v3;
	v4 =	vand.u32 $0xFFFFFFE0, v61  }
0xc0: {  	v3 =	vor.u32 v3, v4  }
0xc1: {  	v4 =	vperm.xlane v3, v0;
	_ =	sdelay $0x1  }
0xc2: {  	v4 =	vadd.s32 v1, v4;
	_ =	sdelay $0x1  }
0xc3: {  	v3 =	vperm.xlane v3, v2;
	_ =	sdelay $0x1  }
0xc4: {  	s11 =	simm.s32 $0x10080;
	v3 =	vadd.s32 v1, v3  }
0xc5: {  	[tilespmem:s11], [sflag:$0x2] =	stream.indirect_vreg.gather [hbm4b:s3+s4], $0x80, v4, vm0, $0xb8;
	[tilespmem:$0x17080] =	vst v63  }
0xc6: {  	s29 =	simm.s32 $0x10880  }
0xc7: {  	[tilespmem:s29], [sflag:$0x2] =	stream.indirect_vreg.gather [hbm4b:s7+s4], $0x80, v4, vm0, $0xb8;
	[tilespmem:$0x17080] =	vst v63  }
0xc8: {  	s6 =	simm.s32 $0x11080  }
0xc9: {  	[tilespmem:s6], [sflag:$0x2] =	stream.indirect_vreg.gather [hbm4b:s3+s4], $0x80, v3, vm0, $0xb8;
	[tilespmem:$0x17080] =	vst v63  }
0xca: {  	s8 =	simm.s32 $0x11880  }
0xcb: {  	[tilespmem:s8], [sflag:$0x2] =	stream.indirect_vreg.gather [hbm4b:s7+s4], $0x80, v3, vm0, $0xb8;
	[tilespmem:$0x17080] =	vst v63  }
0xcc: {  	v3 =	vld [tilespmem:$0xB0];
	_ =	sdelay $0x4  }
0xcd: {  	v62 =	vshll.u32 v3, $0x2  }
0xce: {  	v3 =	vand.u32 $0x7, v3;
	v4 =	vand.u32 $0xFFFFFFE0, v62  }
0xcf: {  	v3 =	vor.u32 v3, v4  }
0xd0: {  	v4 =	vperm.xlane v3, v0;
	_ =	sdelay $0x1  }
0xd1: {  	v4 =	vadd.s32 v1, v4;
	_ =	sdelay $0x1  }
0xd2: {  	v3 =	vperm.xlane v3, v2;
	_ =	sdelay $0x1  }
0xd3: {  	s10 =	simm.s32 $0x12080;
	v3 =	vadd.s32 v1, v3  }
0xd4: {  	[tilespmem:s10], [sflag:$0x2] =	stream.indirect_vreg.gather [hbm4b:s3+s4], $0x80, v4, vm0, $0xb8;
	[tilespmem:$0x17080] =	vst v63  }
0xd5: {  	s11 =	simm.s32 $0x12880  }
0xd6: {  	[tilespmem:s11], [sflag:$0x2] =	stream.indirect_vreg.gather [hbm4b:s7+s4], $0x80, v4, vm0, $0xb8;
	[tilespmem:$0x17080] =	vst v63  }
0xd7: {  	s29 =	simm.s32 $0x13080  }
0xd8: {  	[tilespmem:s29], [sflag:$0x2] =	stream.indirect_vreg.gather [hbm4b:s3+s4], $0x80, v3, vm0, $0xb8;
	[tilespmem:$0x17080] =	vst v63  }
0xd9: {  	s6 =	simm.s32 $0x13880  }
0xda: {  	[tilespmem:s6], [sflag:$0x2] =	stream.indirect_vreg.gather [hbm4b:s7+s4], $0x80, v3, vm0, $0xb8;
	[tilespmem:$0x17080] =	vst v63  }
0xdb: {  	v3 =	vld [tilespmem:$0xC0];
	_ =	sdelay $0x4  }
0xdc: {  	v63 =	vshll.u32 v3, $0x2  }
0xdd: {  	v3 =	vand.u32 $0x7, v3;
	v4 =	vand.u32 $0xFFFFFFE0, v63  }
0xde: {  	v3 =	vor.u32 v3, v4  }
0xdf: {  	v4 =	vperm.xlane v3, v0;
	_ =	sdelay $0x1  }
0xe0: {  	v4 =	vadd.s32 v1, v4;
	_ =	sdelay $0x1  }
0xe1: {  	v3 =	vperm.xlane v3, v2;
	_ =	sdelay $0x1  }
0xe2: {  	s8 =	simm.s32 $0x14080;
	v3 =	vadd.s32 v1, v3  }
0xe3: {  	[tilespmem:s8], [sflag:$0x2] =	stream.indirect_vreg.gather [hbm4b:s3+s4], $0x80, v4, vm0, $0xb8;
	[tilespmem:$0x17080] =	vst v63  }
0xe4: {  	s10 =	simm.s32 $0x14880  }
0xe5: {  	[tilespmem:s10], [sflag:$0x2] =	stream.indirect_vreg.gather [hbm4b:s7+s4], $0x80, v4, vm0, $0xb8;
	[tilespmem:$0x17080] =	vst v63  }
0xe6: {  	s11 =	simm.s32 $0x15080  }
0xe7: {  	[tilespmem:s11], [sflag:$0x2] =	stream.indirect_vreg.gather [hbm4b:s3+s4], $0x80, v3, vm0, $0xb8;
	[tilespmem:$0x17080] =	vst v63  }
0xe8: {  	s28 =	simm.s32 $0x280;
	s29 =	simm.s32 $0x15880;
	s8 =	rddreg [dreg:$0xb]  }
0xe9: {  	[tilespmem:s29], [sflag:$0x2] =	stream.indirect_vreg.gather [hbm4b:s7+s4], $0x80, v3, vm0, $0xb8;
	[tilespmem:$0x17080] =	vst v63  }
.LBB2_2:
0xea: {  	s29 =	simm.s32 $0x1  }
0xeb: {  	_ =	swait.ge [sflag:s29], $0xA000  }
0xec: {  	[sflag:s29] =	ssyncset.done $0x0  }
0xed: {  	[sflag:s29] =	ssyncadd.s32 $0xFFFF6000  }
0xee: {  	v3 =	vld [tilespmem:$0x1000];
	_ =	sdelay $0x4  }
0xef: {  	v4 =	vshll.u32 v3, $0x2  }
0xf0: {  	v3 =	vand.u32 $0x7, v3;
	v4 =	vand.u32 $0xFFFFFFE0, v4  }
0xf1: {  	v3 =	vor.u32 v3, v4  }
0xf2: {  	v4 =	vperm.xlane v3, v0;
	_ =	sdelay $0x1  }
0xf3: {  	v4 =	vadd.s32 v1, v4;
	_ =	sdelay $0x1  }
0xf4: {  	v3 =	vperm.xlane v3, v2;
	_ =	sdelay $0x1  }
0xf5: {  	v3 =	vadd.s32 v1, v3  }
0xf6: {  	[hbm4b:s8+s4] =	stream.indirect_vreg.scatter [tilespmem:s12], [sflag:$0x3], $0x80, v4, vm0, $0xb8;
	[tilespmem:$0x17080] =	vst v63  }
0xf7: {  	s11 =	sadd.s32 $0x100, s8  }
0xf8: {  	[hbm4b:s11+s4] =	stream.indirect_vreg.scatter [tilespmem:s15], [sflag:$0x3], $0x80, v4, vm0, $0xb8;
	[tilespmem:$0x17080] =	vst v63  }
0xf9: {  	_ = 	snop  }
0xfa: {  	[hbm4b:s8+s4] =	stream.indirect_vreg.scatter [tilespmem:s21], [sflag:$0x3], $0x80, v3, vm0, $0xb8;
	[tilespmem:$0x17080] =	vst v63  }
0xfb: {  	_ = 	snop  }
0xfc: {  	[hbm4b:s11+s4] =	stream.indirect_vreg.scatter [tilespmem:s0], [sflag:$0x3], $0x80, v3, vm0, $0xb8;
	[tilespmem:$0x17080] =	vst v63  }
0xfd: {  	v3 =	vld [tilespmem:$0x1010];
	_ =	sdelay $0x4  }
0xfe: {  	v31 =	vshll.u32 v3, $0x2  }
0xff: {  	v3 =	vand.u32 $0x7, v3;
	v4 =	vand.u32 $0xFFFFFFE0, v31  }
0x100: {  	v3 =	vor.u32 v3, v4  }
0x101: {  	v4 =	vperm.xlane v3, v0;
	_ =	sdelay $0x1  }
0x102: {  	v4 =	vadd.s32 v1, v4;
	_ =	sdelay $0x1  }
0x103: {  	v3 =	vperm.xlane v3, v2;
	_ =	sdelay $0x1  }
0x104: {  	v3 =	vadd.s32 v1, v3  }
0x105: {  	[hbm4b:s8+s4] =	stream.indirect_vreg.scatter [tilespmem:s1], [sflag:$0x3], $0x80, v4, vm0, $0xb8;
	[tilespmem:$0x17080] =	vst v63  }
0x106: {  	_ = 	snop  }
0x107: {  	[hbm4b:s11+s4] =	stream.indirect_vreg.scatter [tilespmem:s26], [sflag:$0x3], $0x80, v4, vm0, $0xb8;
	[tilespmem:$0x17080] =	vst v63  }
0x108: {  	_ = 	snop  }
0x109: {  	[hbm4b:s8+s4] =	stream.indirect_vreg.scatter [tilespmem:s14], [sflag:$0x3], $0x80, v3, vm0, $0xb8;
	[tilespmem:$0x17080] =	vst v63  }
0x10a: {  	_ = 	snop  }
0x10b: {  	[hbm4b:s11+s4] =	stream.indirect_vreg.scatter [tilespmem:s16], [sflag:$0x3], $0x80, v3, vm0, $0xb8;
	[tilespmem:$0x17080] =	vst v63  }
0x10c: {  	v3 =	vld [tilespmem:$0x1020];
	_ =	sdelay $0x4  }
0x10d: {  	v32 =	vshll.u32 v3, $0x2  }
0x10e: {  	v3 =	vand.u32 $0x7, v3;
	v4 =	vand.u32 $0xFFFFFFE0, v32  }
0x10f: {  	v3 =	vor.u32 v3, v4  }
0x110: {  	v4 =	vperm.xlane v3, v0;
	_ =	sdelay $0x1  }
0x111: {  	v4 =	vadd.s32 v1, v4;
	_ =	sdelay $0x1  }
0x112: {  	v3 =	vperm.xlane v3, v2;
	_ =	sdelay $0x1  }
0x113: {  	v3 =	vadd.s32 v1, v3  }
0x114: {  	[hbm4b:s8+s4] =	stream.indirect_vreg.scatter [tilespmem:s17], [sflag:$0x3], $0x80, v4, vm0, $0xb8;
	[tilespmem:$0x17080] =	vst v63  }
0x115: {  	_ = 	snop  }
0x116: {  	[hbm4b:s11+s4] =	stream.indirect_vreg.scatter [tilespmem:s18], [sflag:$0x3], $0x80, v4, vm0, $0xb8;
	[tilespmem:$0x17080] =	vst v63  }
0x117: {  	_ = 	snop  }
0x118: {  	[hbm4b:s8+s4] =	stream.indirect_vreg.scatter [tilespmem:s19], [sflag:$0x3], $0x80, v3, vm0, $0xb8;
	[tilespmem:$0x17080] =	vst v63  }
0x119: {  	_ = 	snop  }
0x11a: {  	[hbm4b:s11+s4] =	stream.indirect_vreg.scatter [tilespmem:s20], [sflag:$0x3], $0x80, v3, vm0, $0xb8;
	[tilespmem:$0x17080] =	vst v63  }
0x11b: {  	v3 =	vld [tilespmem:$0x1030];
	_ =	sdelay $0x4  }
0x11c: {  	v33 =	vshll.u32 v3, $0x2  }
0x11d: {  	v3 =	vand.u32 $0x7, v3;
	v4 =	vand.u32 $0xFFFFFFE0, v33  }
0x11e: {  	v3 =	vor.u32 v3, v4  }
0x11f: {  	v4 =	vperm.xlane v3, v0;
	_ =	sdelay $0x1  }
0x120: {  	v4 =	vadd.s32 v1, v4;
	_ =	sdelay $0x1  }
0x121: {  	v3 =	vperm.xlane v3, v2;
	_ =	sdelay $0x1  }
0x122: {  	v3 =	vadd.s32 v1, v3  }
0x123: {  	[hbm4b:s8+s4] =	stream.indirect_vreg.scatter [tilespmem:s22], [sflag:$0x3], $0x80, v4, vm0, $0xb8;
	[tilespmem:$0x17080] =	vst v63  }
0x124: {  	_ = 	snop  }
0x125: {  	[hbm4b:s11+s4] =	stream.indirect_vreg.scatter [tilespmem:s23], [sflag:$0x3], $0x80, v4, vm0, $0xb8;
	[tilespmem:$0x17080] =	vst v63  }
0x126: {  	_ = 	snop  }
0x127: {  	[hbm4b:s8+s4] =	stream.indirect_vreg.scatter [tilespmem:s24], [sflag:$0x3], $0x80, v3, vm0, $0xb8;
	[tilespmem:$0x17080] =	vst v63  }
0x128: {  	_ = 	snop  }
0x129: {  	[hbm4b:s11+s4] =	stream.indirect_vreg.scatter [tilespmem:s25], [sflag:$0x3], $0x80, v3, vm0, $0xb8;
	[tilespmem:$0x17080] =	vst v63  }
0x12a: {  	v3 =	vld [tilespmem:$0x1040];
	_ =	sdelay $0x4  }
0x12b: {  	v34 =	vshll.u32 v3, $0x2  }
0x12c: {  	v3 =	vand.u32 $0x7, v3;
	v4 =	vand.u32 $0xFFFFFFE0, v34  }
0x12d: {  	v3 =	vor.u32 v3, v4  }
0x12e: {  	v4 =	vperm.xlane v3, v0;
	_ =	sdelay $0x1  }
0x12f: {  	v4 =	vadd.s32 v1, v4;
	_ =	sdelay $0x1  }
0x130: {  	v3 =	vperm.xlane v3, v2;
	_ =	sdelay $0x1  }
0x131: {  	s26 =	simm.s32 $0x9080;
	v3 =	vadd.s32 v1, v3  }
0x132: {  	[hbm4b:s8+s4] =	stream.indirect_vreg.scatter [tilespmem:s26], [sflag:$0x3], $0x80, v4, vm0, $0xb8;
	[tilespmem:$0x17080] =	vst v63  }
0x133: {  	_ = 	snop  }
0x134: {  	[hbm4b:s11+s4] =	stream.indirect_vreg.scatter [tilespmem:s30], [sflag:$0x3], $0x80, v4, vm0, $0xb8;
	[tilespmem:$0x17080] =	vst v63  }
0x135: {  	s1 =	simm.s32 $0xA080  }
0x136: {  	[hbm4b:s8+s4] =	stream.indirect_vreg.scatter [tilespmem:s1], [sflag:$0x3], $0x80, v3, vm0, $0xb8;
	[tilespmem:$0x17080] =	vst v63  }
0x137: {  	_ = 	snop  }
0x138: {  	[hbm4b:s11+s4] =	stream.indirect_vreg.scatter [tilespmem:s31], [sflag:$0x3], $0x80, v3, vm0, $0xb8;
	[tilespmem:$0x17080] =	vst v63  }
0x139: {  	v3 =	vld.msk [tilespmem:$0x1050], $0xff;
	_ =	sdelay $0x4  }
0x13a: {  	v35 =	vshll.u32 v3, $0x2  }
0x13b: {  	v3 =	vand.u32 $0x7, v3;
	v4 =	vand.u32 $0xFFFFFFE0, v35  }
0x13c: {  	v3 =	vor.u32 v3, v4  }
0x13d: {  	v3 =	vperm.xlane v3, v0;
	_ =	sdelay $0x1  }
0x13e: {  	v3 =	vadd.s32 v1, v3;
	_ =	sdelay $0x3  }
0x13f: {  	s5 =	simm.s32 $0xB080  }
0x140: {  	[hbm4b:s8+s4] =	stream.indirect_vreg.scatter [tilespmem:s5], [sflag:$0x3], $0x80, v3, vm0, $0xb8;
	[tilespmem:$0x17080] =	vst v63  }
0x141: {  	s6 =	simm.s32 $0xB880;
	s30 =	simm.s32 $0x2  }
0x142: {  	[hbm4b:s11+s4] =	stream.indirect_vreg.scatter [tilespmem:s6], [sflag:$0x3], $0x80, v3, vm0, $0xb8;
	[tilespmem:$0x17080] =	vst v63  }
0x143: {  	_ =	swait.ge [sflag:s30], $0xA000  }
0x144: {  	[sflag:s30] =	ssyncset.done $0x0  }
0x145: {  	[sflag:s30] =	ssyncadd.s32 $0xFFFF6000  }
0x146: {  	v3 =	vld [tilespmem:$0x1000];
	_ =	sdelay $0x4  }
0x147: {  	v36 =	vshll.u32 v3, $0x2  }
0x148: {  	v3 =	vand.u32 $0x7, v3;
	v4 =	vand.u32 $0xFFFFFFE0, v36  }
0x149: {  	v3 =	vor.u32 v3, v4  }
0x14a: {  	v4 =	vperm.xlane v3, v0;
	_ =	sdelay $0x1  }
0x14b: {  	v4 =	vadd.s32 v1, v4;
	_ =	sdelay $0x1  }
0x14c: {  	v3 =	vperm.xlane v3, v2;
	_ =	sdelay $0x1  }
0x14d: {  	s10 =	sadd.s32 $0x1400, s8;
	v3 =	vadd.s32 v1, v3  }
0x14e: {  	[hbm4b:s10+s4] =	stream.indirect_vreg.scatter [tilespmem:s2], [sflag:$0x4], $0x80, v4, vm0, $0xb8;
	[tilespmem:$0x17080] =	vst v63  }
0x14f: {  	s2 =	sadd.s32 $0x1500, s8  }
0x150: {  	[hbm4b:s2+s4] =	stream.indirect_vreg.scatter [tilespmem:s9], [sflag:$0x4], $0x80, v4, vm0, $0xb8;
	[tilespmem:$0x17080] =	vst v63  }
0x151: {  	_ = 	snop  }
0x152: {  	[hbm4b:s10+s4] =	stream.indirect_vreg.scatter [tilespmem:s13], [sflag:$0x4], $0x80, v3, vm0, $0xb8;
	[tilespmem:$0x17080] =	vst v63  }
0x153: {  	s11 =	simm.s32 $0xD880  }
0x154: {  	[hbm4b:s2+s4] =	stream.indirect_vreg.scatter [tilespmem:s11], [sflag:$0x4], $0x80, v3, vm0, $0xb8;
	[tilespmem:$0x17080] =	vst v63  }
0x155: {  	v3 =	vld [tilespmem:$0x1010];
	_ =	sdelay $0x4  }
0x156: {  	v37 =	vshll.u32 v3, $0x2  }
0x157: {  	v3 =	vand.u32 $0x7, v3;
	v4 =	vand.u32 $0xFFFFFFE0, v37  }
0x158: {  	v3 =	vor.u32 v3, v4  }
0x159: {  	v4 =	vperm.xlane v3, v0;
	_ =	sdelay $0x1  }
0x15a: {  	v4 =	vadd.s32 v1, v4;
	_ =	sdelay $0x1  }
0x15b: {  	v3 =	vperm.xlane v3, v2;
	_ =	sdelay $0x1  }
0x15c: {  	s13 =	simm.s32 $0xE080;
	v3 =	vadd.s32 v1, v3  }
0x15d: {  	[hbm4b:s10+s4] =	stream.indirect_vreg.scatter [tilespmem:s13], [sflag:$0x4], $0x80, v4, vm0, $0xb8;
	[tilespmem:$0x17080] =	vst v63  }
0x15e: {  	s14 =	simm.s32 $0xE880  }
0x15f: {  	[hbm4b:s2+s4] =	stream.indirect_vreg.scatter [tilespmem:s14], [sflag:$0x4], $0x80, v4, vm0, $0xb8;
	[tilespmem:$0x17080] =	vst v63  }
0x160: {  	s15 =	simm.s32 $0xF080  }
0x161: {  	[hbm4b:s10+s4] =	stream.indirect_vreg.scatter [tilespmem:s15], [sflag:$0x4], $0x80, v3, vm0, $0xb8;
	[tilespmem:$0x17080] =	vst v63  }
0x162: {  	s16 =	simm.s32 $0xF880  }
0x163: {  	[hbm4b:s2+s4] =	stream.indirect_vreg.scatter [tilespmem:s16], [sflag:$0x4], $0x80, v3, vm0, $0xb8;
	[tilespmem:$0x17080] =	vst v63  }
0x164: {  	v3 =	vld [tilespmem:$0x1020];
	_ =	sdelay $0x4  }
0x165: {  	v38 =	vshll.u32 v3, $0x2  }
0x166: {  	v3 =	vand.u32 $0x7, v3;
	v4 =	vand.u32 $0xFFFFFFE0, v38  }
0x167: {  	v3 =	vor.u32 v3, v4  }
0x168: {  	v4 =	vperm.xlane v3, v0;
	_ =	sdelay $0x1  }
0x169: {  	v4 =	vadd.s32 v1, v4;
	_ =	sdelay $0x1  }
0x16a: {  	v3 =	vperm.xlane v3, v2;
	_ =	sdelay $0x1  }
0x16b: {  	s17 =	simm.s32 $0x10080;
	v3 =	vadd.s32 v1, v3  }
0x16c: {  	[hbm4b:s10+s4] =	stream.indirect_vreg.scatter [tilespmem:s17], [sflag:$0x4], $0x80, v4, vm0, $0xb8;
	[tilespmem:$0x17080] =	vst v63  }
0x16d: {  	s18 =	simm.s32 $0x10880  }
0x16e: {  	[hbm4b:s2+s4] =	stream.indirect_vreg.scatter [tilespmem:s18], [sflag:$0x4], $0x80, v4, vm0, $0xb8;
	[tilespmem:$0x17080] =	vst v63  }
0x16f: {  	s19 =	simm.s32 $0x11080  }
0x170: {  	[hbm4b:s10+s4] =	stream.indirect_vreg.scatter [tilespmem:s19], [sflag:$0x4], $0x80, v3, vm0, $0xb8;
	[tilespmem:$0x17080] =	vst v63  }
0x171: {  	s20 =	simm.s32 $0x11880  }
0x172: {  	[hbm4b:s2+s4] =	stream.indirect_vreg.scatter [tilespmem:s20], [sflag:$0x4], $0x80, v3, vm0, $0xb8;
	[tilespmem:$0x17080] =	vst v63  }
0x173: {  	v3 =	vld [tilespmem:$0x1030];
	_ =	sdelay $0x4  }
0x174: {  	v39 =	vshll.u32 v3, $0x2  }
0x175: {  	v3 =	vand.u32 $0x7, v3;
	v4 =	vand.u32 $0xFFFFFFE0, v39  }
0x176: {  	v3 =	vor.u32 v3, v4  }
0x177: {  	v4 =	vperm.xlane v3, v0;
	_ =	sdelay $0x1  }
0x178: {  	v4 =	vadd.s32 v1, v4;
	_ =	sdelay $0x1  }
0x179: {  	v3 =	vperm.xlane v3, v2;
	_ =	sdelay $0x1  }
0x17a: {  	s21 =	simm.s32 $0x12080;
	v3 =	vadd.s32 v1, v3  }
0x17b: {  	[hbm4b:s10+s4] =	stream.indirect_vreg.scatter [tilespmem:s21], [sflag:$0x4], $0x80, v4, vm0, $0xb8;
	[tilespmem:$0x17080] =	vst v63  }
0x17c: {  	s22 =	simm.s32 $0x12880  }
0x17d: {  	[hbm4b:s2+s4] =	stream.indirect_vreg.scatter [tilespmem:s22], [sflag:$0x4], $0x80, v4, vm0, $0xb8;
	[tilespmem:$0x17080] =	vst v63  }
0x17e: {  	s23 =	simm.s32 $0x13080  }
0x17f: {  	[hbm4b:s10+s4] =	stream.indirect_vreg.scatter [tilespmem:s23], [sflag:$0x4], $0x80, v3, vm0, $0xb8;
	[tilespmem:$0x17080] =	vst v63  }
0x180: {  	s24 =	simm.s32 $0x13880  }
0x181: {  	[hbm4b:s2+s4] =	stream.indirect_vreg.scatter [tilespmem:s24], [sflag:$0x4], $0x80, v3, vm0, $0xb8;
	[tilespmem:$0x17080] =	vst v63  }
0x182: {  	v3 =	vld [tilespmem:$0x1040];
	_ =	sdelay $0x4  }
0x183: {  	v40 =	vshll.u32 v3, $0x2  }
0x184: {  	v3 =	vand.u32 $0x7, v3;
	v4 =	vand.u32 $0xFFFFFFE0, v40  }
0x185: {  	v3 =	vor.u32 v3, v4  }
0x186: {  	v4 =	vperm.xlane v3, v0;
	_ =	sdelay $0x1  }
0x187: {  	v4 =	vadd.s32 v1, v4;
	_ =	sdelay $0x1  }
0x188: {  	v3 =	vperm.xlane v3, v2;
	_ =	sdelay $0x1  }
0x189: {  	s25 =	simm.s32 $0x14080;
	v3 =	vadd.s32 v1, v3  }
0x18a: {  	[hbm4b:s10+s4] =	stream.indirect_vreg.scatter [tilespmem:s25], [sflag:$0x4], $0x80, v4, vm0, $0xb8;
	[tilespmem:$0x17080] =	vst v63  }
0x18b: {  	s26 =	simm.s32 $0x14880  }
0x18c: {  	[hbm4b:s2+s4] =	stream.indirect_vreg.scatter [tilespmem:s26], [sflag:$0x4], $0x80, v4, vm0, $0xb8;
	[tilespmem:$0x17080] =	vst v63  }
0x18d: {  	s1 =	simm.s32 $0x15080  }
0x18e: {  	[hbm4b:s10+s4] =	stream.indirect_vreg.scatter [tilespmem:s1], [sflag:$0x4], $0x80, v3, vm0, $0xb8;
	[tilespmem:$0x17080] =	vst v63  }
0x18f: {  	s5 =	simm.s32 $0x15880  }
0x190: {  	[hbm4b:s2+s4] =	stream.indirect_vreg.scatter [tilespmem:s5], [sflag:$0x4], $0x80, v3, vm0, $0xb8;
	[tilespmem:$0x17080] =	vst v63  }
0x191: {  	v3 =	vld.msk [tilespmem:$0x1050], $0xff;
	_ =	sdelay $0x4  }
0x192: {  	v41 =	vshll.u32 v3, $0x2  }
0x193: {  	v3 =	vand.u32 $0x7, v3;
	v4 =	vand.u32 $0xFFFFFFE0, v41  }
0x194: {  	v3 =	vor.u32 v3, v4  }
0x195: {  	v3 =	vperm.xlane v3, v0;
	_ =	sdelay $0x1  }
0x196: {  	v3 =	vadd.s32 v1, v3;
	_ =	sdelay $0x3  }
0x197: {  	s6 =	simm.s32 $0x16080  }
0x198: {  	[hbm4b:s10+s4] =	stream.indirect_vreg.scatter [tilespmem:s6], [sflag:$0x4], $0x80, v3, vm0, $0xb8;
	[tilespmem:$0x17080] =	vst v63  }
0x199: {  	s0 =	simm.s32 $0x3;
	s9 =	simm.s32 $0x16880  }
0x19a: {  	[hbm4b:s2+s4] =	stream.indirect_vreg.scatter [tilespmem:s9], [sflag:$0x4], $0x80, v3, vm0, $0xb8;
	[tilespmem:$0x17080] =	vst v63  }
0x19b: {  	s12 =	sadd.s32 $0xFFFFFD80, s28;
	s9 =	sadd.s32 $0xFFFFFE80, s28;
	_ =	swait.ge [sflag:s0], $0xB000  }
0x19c: {  	s12 =	sand.u32 $0xC00, s12;
	s9 =	sand.u32 $0x300, s9;
	[sflag:s0] =	ssyncset.done $0x0  }
0x19d: {  	s2 =	sor.u32 s9, s12;
	[sflag:s0] =	ssyncadd.s32 $0xFFFF5000  }
0x19e: {  	v3 =	vld [tilespmem:s2+$0x0];
	_ =	sdelay $0x4  }
0x19f: {  	v42 =	vshll.u32 v3, $0x2  }
0x1a0: {  	v3 =	vand.u32 $0x7, v3;
	v4 =	vand.u32 $0xFFFFFFE0, v42  }
0x1a1: {  	v3 =	vor.u32 v3, v4  }
0x1a2: {  	v4 =	vperm.xlane v3, v0;
	_ =	sdelay $0x1  }
0x1a3: {  	v4 =	vadd.s32 v1, v4;
	_ =	sdelay $0x1  }
0x1a4: {  	v3 =	vperm.xlane v3, v2;
	_ =	sdelay $0x1  }
0x1a5: {  	s26 =	simm.s32 $0x1080;
	v3 =	vadd.s32 v1, v3  }
0x1a6: {  	[tilespmem:s26], [sflag:$0x1] =	stream.indirect_vreg.gather [hbm4b:s3+s4], $0x80, v4, vm0, $0xb8;
	[tilespmem:$0x17080] =	vst v63  }
0x1a7: {  	s25 =	simm.s32 $0x1880  }
0x1a8: {  	[tilespmem:s25], [sflag:$0x1] =	stream.indirect_vreg.gather [hbm4b:s7+s4], $0x80, v4, vm0, $0xb8;
	[tilespmem:$0x17080] =	vst v63  }
0x1a9: {  	s24 =	simm.s32 $0x2080  }
0x1aa: {  	[tilespmem:s24], [sflag:$0x1] =	stream.indirect_vreg.gather [hbm4b:s3+s4], $0x80, v3, vm0, $0xb8;
	[tilespmem:$0x17080] =	vst v63  }
0x1ab: {  	s23 =	simm.s32 $0x2880  }
0x1ac: {  	[tilespmem:s23], [sflag:$0x1] =	stream.indirect_vreg.gather [hbm4b:s7+s4], $0x80, v3, vm0, $0xb8;
	[tilespmem:$0x17080] =	vst v63  }
0x1ad: {  	v3 =	vld [tilespmem:s2+$0x10];
	_ =	sdelay $0x4  }
0x1ae: {  	v43 =	vshll.u32 v3, $0x2  }
0x1af: {  	v3 =	vand.u32 $0x7, v3;
	v4 =	vand.u32 $0xFFFFFFE0, v43  }
0x1b0: {  	v3 =	vor.u32 v3, v4  }
0x1b1: {  	v4 =	vperm.xlane v3, v0;
	_ =	sdelay $0x1  }
0x1b2: {  	v4 =	vadd.s32 v1, v4;
	_ =	sdelay $0x1  }
0x1b3: {  	v3 =	vperm.xlane v3, v2;
	_ =	sdelay $0x1  }
0x1b4: {  	s22 =	simm.s32 $0x3080;
	v3 =	vadd.s32 v1, v3  }
0x1b5: {  	[tilespmem:s22], [sflag:$0x1] =	stream.indirect_vreg.gather [hbm4b:s3+s4], $0x80, v4, vm0, $0xb8;
	[tilespmem:$0x17080] =	vst v63  }
0x1b6: {  	s21 =	simm.s32 $0x3880  }
0x1b7: {  	[tilespmem:s21], [sflag:$0x1] =	stream.indirect_vreg.gather [hbm4b:s7+s4], $0x80, v4, vm0, $0xb8;
	[tilespmem:$0x17080] =	vst v63  }
0x1b8: {  	s20 =	simm.s32 $0x4080  }
0x1b9: {  	[tilespmem:s20], [sflag:$0x1] =	stream.indirect_vreg.gather [hbm4b:s3+s4], $0x80, v3, vm0, $0xb8;
	[tilespmem:$0x17080] =	vst v63  }
0x1ba: {  	s19 =	simm.s32 $0x4880  }
0x1bb: {  	[tilespmem:s19], [sflag:$0x1] =	stream.indirect_vreg.gather [hbm4b:s7+s4], $0x80, v3, vm0, $0xb8;
	[tilespmem:$0x17080] =	vst v63  }
0x1bc: {  	v3 =	vld [tilespmem:s2+$0x20];
	_ =	sdelay $0x4  }
0x1bd: {  	v44 =	vshll.u32 v3, $0x2  }
0x1be: {  	v3 =	vand.u32 $0x7, v3;
	v4 =	vand.u32 $0xFFFFFFE0, v44  }
0x1bf: {  	v3 =	vor.u32 v3, v4  }
0x1c0: {  	v4 =	vperm.xlane v3, v0;
	_ =	sdelay $0x1  }
0x1c1: {  	v4 =	vadd.s32 v1, v4;
	_ =	sdelay $0x1  }
0x1c2: {  	v3 =	vperm.xlane v3, v2;
	_ =	sdelay $0x1  }
0x1c3: {  	s18 =	simm.s32 $0x5080;
	v3 =	vadd.s32 v1, v3  }
0x1c4: {  	[tilespmem:s18], [sflag:$0x1] =	stream.indirect_vreg.gather [hbm4b:s3+s4], $0x80, v4, vm0, $0xb8;
	[tilespmem:$0x17080] =	vst v63  }
0x1c5: {  	s17 =	simm.s32 $0x5880  }
0x1c6: {  	[tilespmem:s17], [sflag:$0x1] =	stream.indirect_vreg.gather [hbm4b:s7+s4], $0x80, v4, vm0, $0xb8;
	[tilespmem:$0x17080] =	vst v63  }
0x1c7: {  	s16 =	simm.s32 $0x6080  }
0x1c8: {  	[tilespmem:s16], [sflag:$0x1] =	stream.indirect_vreg.gather [hbm4b:s3+s4], $0x80, v3, vm0, $0xb8;
	[tilespmem:$0x17080] =	vst v63  }
0x1c9: {  	s15 =	simm.s32 $0x6880  }
0x1ca: {  	[tilespmem:s15], [sflag:$0x1] =	stream.indirect_vreg.gather [hbm4b:s7+s4], $0x80, v3, vm0, $0xb8;
	[tilespmem:$0x17080] =	vst v63  }
0x1cb: {  	v3 =	vld [tilespmem:s2+$0x30];
	_ =	sdelay $0x4  }
0x1cc: {  	v45 =	vshll.u32 v3, $0x2  }
0x1cd: {  	v3 =	vand.u32 $0x7, v3;
	v4 =	vand.u32 $0xFFFFFFE0, v45  }
0x1ce: {  	v3 =	vor.u32 v3, v4  }
0x1cf: {  	v4 =	vperm.xlane v3, v0;
	_ =	sdelay $0x1  }
0x1d0: {  	v4 =	vadd.s32 v1, v4;
	_ =	sdelay $0x1  }
0x1d1: {  	v3 =	vperm.xlane v3, v2;
	_ =	sdelay $0x1  }
0x1d2: {  	s6 =	simm.s32 $0x7080;
	v3 =	vadd.s32 v1, v3  }
0x1d3: {  	[tilespmem:s6], [sflag:$0x1] =	stream.indirect_vreg.gather [hbm4b:s3+s4], $0x80, v4, vm0, $0xb8;
	[tilespmem:$0x17080] =	vst v63  }
0x1d4: {  	s14 =	simm.s32 $0x7880  }
0x1d5: {  	[tilespmem:s14], [sflag:$0x1] =	stream.indirect_vreg.gather [hbm4b:s7+s4], $0x80, v4, vm0, $0xb8;
	[tilespmem:$0x17080] =	vst v63  }
0x1d6: {  	s5 =	simm.s32 $0x8080  }
0x1d7: {  	[tilespmem:s5], [sflag:$0x1] =	stream.indirect_vreg.gather [hbm4b:s3+s4], $0x80, v3, vm0, $0xb8;
	[tilespmem:$0x17080] =	vst v63  }
0x1d8: {  	s1 =	simm.s32 $0x8880  }
0x1d9: {  	[tilespmem:s1], [sflag:$0x1] =	stream.indirect_vreg.gather [hbm4b:s7+s4], $0x80, v3, vm0, $0xb8;
	[tilespmem:$0x17080] =	vst v63  }
0x1da: {  	v3 =	vld [tilespmem:s2+$0x40];
	_ =	sdelay $0x4  }
0x1db: {  	v46 =	vshll.u32 v3, $0x2  }
0x1dc: {  	v3 =	vand.u32 $0x7, v3;
	v4 =	vand.u32 $0xFFFFFFE0, v46  }
0x1dd: {  	v3 =	vor.u32 v3, v4  }
0x1de: {  	v4 =	vperm.xlane v3, v0;
	_ =	sdelay $0x1  }
0x1df: {  	v4 =	vadd.s32 v1, v4;
	_ =	sdelay $0x1  }
0x1e0: {  	v3 =	vperm.xlane v3, v2;
	_ =	sdelay $0x1  }
0x1e1: {  	s10 =	simm.s32 $0x9080;
	v3 =	vadd.s32 v1, v3  }
0x1e2: {  	[tilespmem:s10], [sflag:$0x1] =	stream.indirect_vreg.gather [hbm4b:s3+s4], $0x80, v4, vm0, $0xb8;
	[tilespmem:$0x17080] =	vst v63  }
0x1e3: {  	s11 =	simm.s32 $0x9880  }
0x1e4: {  	[tilespmem:s11], [sflag:$0x1] =	stream.indirect_vreg.gather [hbm4b:s7+s4], $0x80, v4, vm0, $0xb8;
	[tilespmem:$0x17080] =	vst v63  }
0x1e5: {  	s13 =	simm.s32 $0xA080  }
0x1e6: {  	[tilespmem:s13], [sflag:$0x1] =	stream.indirect_vreg.gather [hbm4b:s3+s4], $0x80, v3, vm0, $0xb8;
	[tilespmem:$0x17080] =	vst v63  }
0x1e7: {  	s31 =	simm.s32 $0xA880;
	s5 =	simm.s32 $0x4  }
0x1e8: {  	[tilespmem:s31], [sflag:$0x1] =	stream.indirect_vreg.gather [hbm4b:s7+s4], $0x80, v3, vm0, $0xb8;
	[tilespmem:$0x17080] =	vst v63  }
0x1e9: {  	s11 =	sadd.s32 $0xFFFFFF00, s28;
	_ =	swait.ge [sflag:s5], $0xB000  }
0x1ea: {  	s2 =	sand.u32 $0x380, s11;
	[sflag:s5] =	ssyncset.done $0x0  }
0x1eb: {  	s2 =	sor.u32 s2, s12;
	[sflag:s5] =	ssyncadd.s32 $0xFFFF5000  }
0x1ec: {  	v3 =	vld [tilespmem:s2+$0x0];
	_ =	sdelay $0x4  }
0x1ed: {  	v47 =	vshll.u32 v3, $0x2  }
0x1ee: {  	v3 =	vand.u32 $0x7, v3;
	v4 =	vand.u32 $0xFFFFFFE0, v47  }
0x1ef: {  	v3 =	vor.u32 v3, v4  }
0x1f0: {  	v4 =	vperm.xlane v3, v0;
	_ =	sdelay $0x1  }
0x1f1: {  	v4 =	vadd.s32 v1, v4;
	_ =	sdelay $0x1  }
0x1f2: {  	v3 =	vperm.xlane v3, v2;
	_ =	sdelay $0x1  }
0x1f3: {  	s12 =	simm.s32 $0xC080;
	v3 =	vadd.s32 v1, v3  }
0x1f4: {  	[tilespmem:s12], [sflag:$0x2] =	stream.indirect_vreg.gather [hbm4b:s3+s4], $0x80, v4, vm0, $0xb8;
	[tilespmem:$0x17080] =	vst v63  }
0x1f5: {  	s13 =	simm.s32 $0xC880  }
0x1f6: {  	[tilespmem:s13], [sflag:$0x2] =	stream.indirect_vreg.gather [hbm4b:s7+s4], $0x80, v4, vm0, $0xb8;
	[tilespmem:$0x17080] =	vst v63  }
0x1f7: {  	s14 =	simm.s32 $0xD080  }
0x1f8: {  	[tilespmem:s14], [sflag:$0x2] =	stream.indirect_vreg.gather [hbm4b:s3+s4], $0x80, v3, vm0, $0xb8;
	[tilespmem:$0x17080] =	vst v63  }
0x1f9: {  	s15 =	simm.s32 $0xD880  }
0x1fa: {  	[tilespmem:s15], [sflag:$0x2] =	stream.indirect_vreg.gather [hbm4b:s7+s4], $0x80, v3, vm0, $0xb8;
	[tilespmem:$0x17080] =	vst v63  }
0x1fb: {  	v3 =	vld [tilespmem:s2+$0x10];
	_ =	sdelay $0x4  }
0x1fc: {  	v48 =	vshll.u32 v3, $0x2  }
0x1fd: {  	v3 =	vand.u32 $0x7, v3;
	v4 =	vand.u32 $0xFFFFFFE0, v48  }
0x1fe: {  	v3 =	vor.u32 v3, v4  }
0x1ff: {  	v4 =	vperm.xlane v3, v0;
	_ =	sdelay $0x1  }
0x200: {  	v4 =	vadd.s32 v1, v4;
	_ =	sdelay $0x1  }
0x201: {  	v3 =	vperm.xlane v3, v2;
	_ =	sdelay $0x1  }
0x202: {  	s17 =	simm.s32 $0xE080;
	v3 =	vadd.s32 v1, v3  }
0x203: {  	[tilespmem:s17], [sflag:$0x2] =	stream.indirect_vreg.gather [hbm4b:s3+s4], $0x80, v4, vm0, $0xb8;
	[tilespmem:$0x17080] =	vst v63  }
0x204: {  	s18 =	simm.s32 $0xE880  }
0x205: {  	[tilespmem:s18], [sflag:$0x2] =	stream.indirect_vreg.gather [hbm4b:s7+s4], $0x80, v4, vm0, $0xb8;
	[tilespmem:$0x17080] =	vst v63  }
0x206: {  	s19 =	simm.s32 $0xF080  }
0x207: {  	[tilespmem:s19], [sflag:$0x2] =	stream.indirect_vreg.gather [hbm4b:s3+s4], $0x80, v3, vm0, $0xb8;
	[tilespmem:$0x17080] =	vst v63  }
0x208: {  	s20 =	simm.s32 $0xF880  }
0x209: {  	[tilespmem:s20], [sflag:$0x2] =	stream.indirect_vreg.gather [hbm4b:s7+s4], $0x80, v3, vm0, $0xb8;
	[tilespmem:$0x17080] =	vst v63  }
0x20a: {  	v3 =	vld [tilespmem:s2+$0x20];
	_ =	sdelay $0x4  }
0x20b: {  	v49 =	vshll.u32 v3, $0x2  }
0x20c: {  	v3 =	vand.u32 $0x7, v3;
	v4 =	vand.u32 $0xFFFFFFE0, v49  }
0x20d: {  	v3 =	vor.u32 v3, v4  }
0x20e: {  	v4 =	vperm.xlane v3, v0;
	_ =	sdelay $0x1  }
0x20f: {  	v4 =	vadd.s32 v1, v4;
	_ =	sdelay $0x1  }
0x210: {  	v3 =	vperm.xlane v3, v2;
	_ =	sdelay $0x1  }
0x211: {  	s22 =	simm.s32 $0x10080;
	v3 =	vadd.s32 v1, v3  }
0x212: {  	[tilespmem:s22], [sflag:$0x2] =	stream.indirect_vreg.gather [hbm4b:s3+s4], $0x80, v4, vm0, $0xb8;
	[tilespmem:$0x17080] =	vst v63  }
0x213: {  	s24 =	simm.s32 $0x10880  }
0x214: {  	[tilespmem:s24], [sflag:$0x2] =	stream.indirect_vreg.gather [hbm4b:s7+s4], $0x80, v4, vm0, $0xb8;
	[tilespmem:$0x17080] =	vst v63  }
0x215: {  	s1 =	simm.s32 $0x11080  }
0x216: {  	[tilespmem:s1], [sflag:$0x2] =	stream.indirect_vreg.gather [hbm4b:s3+s4], $0x80, v3, vm0, $0xb8;
	[tilespmem:$0x17080] =	vst v63  }
0x217: {  	s12 =	simm.s32 $0x11880  }
0x218: {  	[tilespmem:s12], [sflag:$0x2] =	stream.indirect_vreg.gather [hbm4b:s7+s4], $0x80, v3, vm0, $0xb8;
	[tilespmem:$0x17080] =	vst v63  }
0x219: {  	v3 =	vld [tilespmem:s2+$0x30];
	_ =	sdelay $0x4  }
0x21a: {  	v50 =	vshll.u32 v3, $0x2  }
0x21b: {  	v3 =	vand.u32 $0x7, v3;
	v4 =	vand.u32 $0xFFFFFFE0, v50  }
0x21c: {  	v3 =	vor.u32 v3, v4  }
0x21d: {  	v4 =	vperm.xlane v3, v0;
	_ =	sdelay $0x1  }
0x21e: {  	v4 =	vadd.s32 v1, v4;
	_ =	sdelay $0x1  }
0x21f: {  	v3 =	vperm.xlane v3, v2;
	_ =	sdelay $0x1  }
0x220: {  	s22 =	simm.s32 $0x12080;
	v3 =	vadd.s32 v1, v3  }
0x221: {  	[tilespmem:s22], [sflag:$0x2] =	stream.indirect_vreg.gather [hbm4b:s3+s4], $0x80, v4, vm0, $0xb8;
	[tilespmem:$0x17080] =	vst v63  }
0x222: {  	s24 =	simm.s32 $0x12880  }
0x223: {  	[tilespmem:s24], [sflag:$0x2] =	stream.indirect_vreg.gather [hbm4b:s7+s4], $0x80, v4, vm0, $0xb8;
	[tilespmem:$0x17080] =	vst v63  }
0x224: {  	s1 =	simm.s32 $0x13080  }
0x225: {  	[tilespmem:s1], [sflag:$0x2] =	stream.indirect_vreg.gather [hbm4b:s3+s4], $0x80, v3, vm0, $0xb8;
	[tilespmem:$0x17080] =	vst v63  }
0x226: {  	s12 =	simm.s32 $0x13880  }
0x227: {  	[tilespmem:s12], [sflag:$0x2] =	stream.indirect_vreg.gather [hbm4b:s7+s4], $0x80, v3, vm0, $0xb8;
	[tilespmem:$0x17080] =	vst v63  }
0x228: {  	v3 =	vld [tilespmem:s2+$0x40];
	_ =	sdelay $0x4  }
0x229: {  	v51 =	vshll.u32 v3, $0x2  }
0x22a: {  	v3 =	vand.u32 $0x7, v3;
	v4 =	vand.u32 $0xFFFFFFE0, v51  }
0x22b: {  	v3 =	vor.u32 v3, v4  }
0x22c: {  	v4 =	vperm.xlane v3, v0;
	_ =	sdelay $0x1  }
0x22d: {  	v4 =	vadd.s32 v1, v4;
	_ =	sdelay $0x1  }
0x22e: {  	v3 =	vperm.xlane v3, v2;
	_ =	sdelay $0x1  }
0x22f: {  	s1 =	simm.s32 $0x14080;
	v3 =	vadd.s32 v1, v3  }
0x230: {  	[tilespmem:s1], [sflag:$0x2] =	stream.indirect_vreg.gather [hbm4b:s3+s4], $0x80, v4, vm0, $0xb8;
	[tilespmem:$0x17080] =	vst v63  }
0x231: {  	s9 =	simm.s32 $0x14880  }
0x232: {  	[tilespmem:s9], [sflag:$0x2] =	stream.indirect_vreg.gather [hbm4b:s7+s4], $0x80, v4, vm0, $0xb8;
	[tilespmem:$0x17080] =	vst v63  }
0x233: {  	s12 =	simm.s32 $0x15080  }
0x234: {  	[tilespmem:s12], [sflag:$0x2] =	stream.indirect_vreg.gather [hbm4b:s3+s4], $0x80, v3, vm0, $0xb8;
	[tilespmem:$0x17080] =	vst v63  }
0x235: {  	s1 =	simm.s32 $0x15880  }
0x236: {  	[tilespmem:s1], [sflag:$0x2] =	stream.indirect_vreg.gather [hbm4b:s7+s4], $0x80, v3, vm0, $0xb8;
	[tilespmem:$0x17080] =	vst v63  }
0x237: {  	_ =	swait.ge [sflag:s29], $0xA000  }
0x238: {  	[sflag:s29] =	ssyncset.done $0x0  }
0x239: {  	[sflag:s29] =	ssyncadd.s32 $0xFFFF6000  }
0x23a: {  	v3 =	vld [tilespmem:$0x1000];
	_ =	sdelay $0x4  }
0x23b: {  	v52 =	vshll.u32 v3, $0x2  }
0x23c: {  	v3 =	vand.u32 $0x7, v3;
	v4 =	vand.u32 $0xFFFFFFE0, v52  }
0x23d: {  	v3 =	vor.u32 v3, v4  }
0x23e: {  	v4 =	vperm.xlane v3, v0;
	_ =	sdelay $0x1  }
0x23f: {  	v4 =	vadd.s32 v1, v4;
	_ =	sdelay $0x1  }
0x240: {  	v3 =	vperm.xlane v3, v2;
	_ =	sdelay $0x1  }
0x241: {  	s2 =	simm.s32 $0x1080;
	s12 =	sadd.s32 $0x2800, s8;
	v3 =	vadd.s32 v1, v3  }
0x242: {  	[hbm4b:s12+s4] =	stream.indirect_vreg.scatter [tilespmem:s2], [sflag:$0x3], $0x80, v4, vm0, $0xb8;
	[tilespmem:$0x17080] =	vst v63  }
0x243: {  	s9 =	simm.s32 $0x1880;
	s2 =	sadd.s32 $0x2900, s8  }
0x244: {  	[hbm4b:s2+s4] =	stream.indirect_vreg.scatter [tilespmem:s9], [sflag:$0x3], $0x80, v4, vm0, $0xb8;
	[tilespmem:$0x17080] =	vst v63  }
0x245: {  	s9 =	simm.s32 $0x2080  }
0x246: {  	[hbm4b:s12+s4] =	stream.indirect_vreg.scatter [tilespmem:s9], [sflag:$0x3], $0x80, v3, vm0, $0xb8;
	[tilespmem:$0x17080] =	vst v63  }
0x247: {  	s9 =	simm.s32 $0x2880  }
0x248: {  	[hbm4b:s2+s4] =	stream.indirect_vreg.scatter [tilespmem:s9], [sflag:$0x3], $0x80, v3, vm0, $0xb8;
	[tilespmem:$0x17080] =	vst v63  }
0x249: {  	v3 =	vld [tilespmem:$0x1010];
	_ =	sdelay $0x4  }
0x24a: {  	v53 =	vshll.u32 v3, $0x2  }
0x24b: {  	v3 =	vand.u32 $0x7, v3;
	v4 =	vand.u32 $0xFFFFFFE0, v53  }
0x24c: {  	v3 =	vor.u32 v3, v4  }
0x24d: {  	v4 =	vperm.xlane v3, v0;
	_ =	sdelay $0x1  }
0x24e: {  	v4 =	vadd.s32 v1, v4;
	_ =	sdelay $0x1  }
0x24f: {  	v3 =	vperm.xlane v3, v2;
	_ =	sdelay $0x1  }
0x250: {  	s9 =	simm.s32 $0x3080;
	v3 =	vadd.s32 v1, v3  }
0x251: {  	[hbm4b:s12+s4] =	stream.indirect_vreg.scatter [tilespmem:s9], [sflag:$0x3], $0x80, v4, vm0, $0xb8;
	[tilespmem:$0x17080] =	vst v63  }
0x252: {  	s9 =	simm.s32 $0x3880  }
0x253: {  	[hbm4b:s2+s4] =	stream.indirect_vreg.scatter [tilespmem:s9], [sflag:$0x3], $0x80, v4, vm0, $0xb8;
	[tilespmem:$0x17080] =	vst v63  }
0x254: {  	s9 =	simm.s32 $0x4080  }
0x255: {  	[hbm4b:s12+s4] =	stream.indirect_vreg.scatter [tilespmem:s9], [sflag:$0x3], $0x80, v3, vm0, $0xb8;
	[tilespmem:$0x17080] =	vst v63  }
0x256: {  	s9 =	simm.s32 $0x4880  }
0x257: {  	[hbm4b:s2+s4] =	stream.indirect_vreg.scatter [tilespmem:s9], [sflag:$0x3], $0x80, v3, vm0, $0xb8;
	[tilespmem:$0x17080] =	vst v63  }
0x258: {  	v3 =	vld [tilespmem:$0x1020];
	_ =	sdelay $0x4  }
0x259: {  	v54 =	vshll.u32 v3, $0x2  }
0x25a: {  	v3 =	vand.u32 $0x7, v3;
	v4 =	vand.u32 $0xFFFFFFE0, v54  }
0x25b: {  	v3 =	vor.u32 v3, v4  }
0x25c: {  	v4 =	vperm.xlane v3, v0;
	_ =	sdelay $0x1  }
0x25d: {  	v4 =	vadd.s32 v1, v4;
	_ =	sdelay $0x1  }
0x25e: {  	v3 =	vperm.xlane v3, v2;
	_ =	sdelay $0x1  }
0x25f: {  	s9 =	simm.s32 $0x5080;
	v3 =	vadd.s32 v1, v3  }
0x260: {  	[hbm4b:s12+s4] =	stream.indirect_vreg.scatter [tilespmem:s9], [sflag:$0x3], $0x80, v4, vm0, $0xb8;
	[tilespmem:$0x17080] =	vst v63  }
0x261: {  	s9 =	simm.s32 $0x5880  }
0x262: {  	[hbm4b:s2+s4] =	stream.indirect_vreg.scatter [tilespmem:s9], [sflag:$0x3], $0x80, v4, vm0, $0xb8;
	[tilespmem:$0x17080] =	vst v63  }
0x263: {  	s9 =	simm.s32 $0x6080  }
0x264: {  	[hbm4b:s12+s4] =	stream.indirect_vreg.scatter [tilespmem:s9], [sflag:$0x3], $0x80, v3, vm0, $0xb8;
	[tilespmem:$0x17080] =	vst v63  }
0x265: {  	s9 =	simm.s32 $0x6880  }
0x266: {  	[hbm4b:s2+s4] =	stream.indirect_vreg.scatter [tilespmem:s9], [sflag:$0x3], $0x80, v3, vm0, $0xb8;
	[tilespmem:$0x17080] =	vst v63  }
0x267: {  	v3 =	vld [tilespmem:$0x1030];
	_ =	sdelay $0x4  }
0x268: {  	v55 =	vshll.u32 v3, $0x2  }
0x269: {  	v3 =	vand.u32 $0x7, v3;
	v4 =	vand.u32 $0xFFFFFFE0, v55  }
0x26a: {  	v3 =	vor.u32 v3, v4  }
0x26b: {  	v4 =	vperm.xlane v3, v0;
	_ =	sdelay $0x1  }
0x26c: {  	v4 =	vadd.s32 v1, v4;
	_ =	sdelay $0x1  }
0x26d: {  	v3 =	vperm.xlane v3, v2;
	_ =	sdelay $0x1  }
0x26e: {  	s9 =	simm.s32 $0x7080;
	v3 =	vadd.s32 v1, v3  }
0x26f: {  	[hbm4b:s12+s4] =	stream.indirect_vreg.scatter [tilespmem:s9], [sflag:$0x3], $0x80, v4, vm0, $0xb8;
	[tilespmem:$0x17080] =	vst v63  }
0x270: {  	s9 =	simm.s32 $0x7880  }
0x271: {  	[hbm4b:s2+s4] =	stream.indirect_vreg.scatter [tilespmem:s9], [sflag:$0x3], $0x80, v4, vm0, $0xb8;
	[tilespmem:$0x17080] =	vst v63  }
0x272: {  	s6 =	simm.s32 $0x8080  }
0x273: {  	[hbm4b:s12+s4] =	stream.indirect_vreg.scatter [tilespmem:s6], [sflag:$0x3], $0x80, v3, vm0, $0xb8;
	[tilespmem:$0x17080] =	vst v63  }
0x274: {  	s9 =	simm.s32 $0x8880  }
0x275: {  	[hbm4b:s2+s4] =	stream.indirect_vreg.scatter [tilespmem:s9], [sflag:$0x3], $0x80, v3, vm0, $0xb8;
	[tilespmem:$0x17080] =	vst v63  }
0x276: {  	v3 =	vld [tilespmem:$0x1040];
	_ =	sdelay $0x4  }
0x277: {  	v56 =	vshll.u32 v3, $0x2  }
0x278: {  	v3 =	vand.u32 $0x7, v3;
	v4 =	vand.u32 $0xFFFFFFE0, v56  }
0x279: {  	v3 =	vor.u32 v3, v4  }
0x27a: {  	v4 =	vperm.xlane v3, v0;
	_ =	sdelay $0x1  }
0x27b: {  	v4 =	vadd.s32 v1, v4;
	_ =	sdelay $0x1  }
0x27c: {  	v3 =	vperm.xlane v3, v2;
	_ =	sdelay $0x1  }
0x27d: {  	s26 =	simm.s32 $0x9080;
	v3 =	vadd.s32 v1, v3  }
0x27e: {  	[hbm4b:s12+s4] =	stream.indirect_vreg.scatter [tilespmem:s26], [sflag:$0x3], $0x80, v4, vm0, $0xb8;
	[tilespmem:$0x17080] =	vst v63  }
0x27f: {  	s25 =	simm.s32 $0x9880  }
0x280: {  	[hbm4b:s2+s4] =	stream.indirect_vreg.scatter [tilespmem:s25], [sflag:$0x3], $0x80, v4, vm0, $0xb8;
	[tilespmem:$0x17080] =	vst v63  }
0x281: {  	s23 =	simm.s32 $0xA080  }
0x282: {  	[hbm4b:s12+s4] =	stream.indirect_vreg.scatter [tilespmem:s23], [sflag:$0x3], $0x80, v3, vm0, $0xb8;
	[tilespmem:$0x17080] =	vst v63  }
0x283: {  	s10 =	simm.s32 $0xA880  }
0x284: {  	[hbm4b:s2+s4] =	stream.indirect_vreg.scatter [tilespmem:s10], [sflag:$0x3], $0x80, v3, vm0, $0xb8;
	[tilespmem:$0x17080] =	vst v63  }
0x285: {  	v3 =	vld.msk [tilespmem:$0x1050], $0xff;
	_ =	sdelay $0x4  }
0x286: {  	v57 =	vshll.u32 v3, $0x2  }
0x287: {  	v3 =	vand.u32 $0x7, v3;
	v4 =	vand.u32 $0xFFFFFFE0, v57  }
0x288: {  	v3 =	vor.u32 v3, v4  }
0x289: {  	v3 =	vperm.xlane v3, v0;
	_ =	sdelay $0x1  }
0x28a: {  	v3 =	vadd.s32 v1, v3;
	_ =	sdelay $0x3  }
0x28b: {  	s10 =	simm.s32 $0xB080  }
0x28c: {  	[hbm4b:s12+s4] =	stream.indirect_vreg.scatter [tilespmem:s10], [sflag:$0x3], $0x80, v3, vm0, $0xb8;
	[tilespmem:$0x17080] =	vst v63  }
0x28d: {  	s12 =	simm.s32 $0xB880  }
0x28e: {  	[hbm4b:s2+s4] =	stream.indirect_vreg.scatter [tilespmem:s12], [sflag:$0x3], $0x80, v3, vm0, $0xb8;
	[tilespmem:$0x17080] =	vst v63  }
0x28f: {  	_ =	swait.ge [sflag:s30], $0xA000  }
0x290: {  	[sflag:s30] =	ssyncset.done $0x0  }
0x291: {  	[sflag:s30] =	ssyncadd.s32 $0xFFFF6000  }
0x292: {  	v3 =	vld [tilespmem:$0x1000];
	_ =	sdelay $0x4  }
0x293: {  	v58 =	vshll.u32 v3, $0x2  }
0x294: {  	v3 =	vand.u32 $0x7, v3;
	v4 =	vand.u32 $0xFFFFFFE0, v58  }
0x295: {  	v3 =	vor.u32 v3, v4  }
0x296: {  	v4 =	vperm.xlane v3, v0;
	_ =	sdelay $0x1  }
0x297: {  	v4 =	vadd.s32 v1, v4;
	_ =	sdelay $0x1  }
0x298: {  	v3 =	vperm.xlane v3, v2;
	_ =	sdelay $0x1  }
0x299: {  	s21 =	simm.s32 $0xC080;
	s12 =	sadd.s32 $0x3C00, s8;
	v3 =	vadd.s32 v1, v3  }
0x29a: {  	[hbm4b:s12+s4] =	stream.indirect_vreg.scatter [tilespmem:s21], [sflag:$0x4], $0x80, v4, vm0, $0xb8;
	[tilespmem:$0x17080] =	vst v63  }
0x29b: {  	s16 =	simm.s32 $0xC880;
	s2 =	sadd.s32 $0x3D00, s8  }
0x29c: {  	[hbm4b:s2+s4] =	stream.indirect_vreg.scatter [tilespmem:s16], [sflag:$0x4], $0x80, v4, vm0, $0xb8;
	[tilespmem:$0x17080] =	vst v63  }
0x29d: {  	s5 =	simm.s32 $0xD080  }
0x29e: {  	[hbm4b:s12+s4] =	stream.indirect_vreg.scatter [tilespmem:s5], [sflag:$0x4], $0x80, v3, vm0, $0xb8;
	[tilespmem:$0x17080] =	vst v63  }
0x29f: {  	s14 =	simm.s32 $0xD880  }
0x2a0: {  	[hbm4b:s2+s4] =	stream.indirect_vreg.scatter [tilespmem:s14], [sflag:$0x4], $0x80, v3, vm0, $0xb8;
	[tilespmem:$0x17080] =	vst v63  }
0x2a1: {  	v3 =	vld [tilespmem:$0x1010];
	_ =	sdelay $0x4  }
0x2a2: {  	v59 =	vshll.u32 v3, $0x2  }
0x2a3: {  	v3 =	vand.u32 $0x7, v3;
	v4 =	vand.u32 $0xFFFFFFE0, v59  }
0x2a4: {  	v3 =	vor.u32 v3, v4  }
0x2a5: {  	v4 =	vperm.xlane v3, v0;
	_ =	sdelay $0x1  }
0x2a6: {  	v4 =	vadd.s32 v1, v4;
	_ =	sdelay $0x1  }
0x2a7: {  	v3 =	vperm.xlane v3, v2;
	_ =	sdelay $0x1  }
0x2a8: {  	s11 =	simm.s32 $0xE080;
	v3 =	vadd.s32 v1, v3  }
0x2a9: {  	[hbm4b:s12+s4] =	stream.indirect_vreg.scatter [tilespmem:s11], [sflag:$0x4], $0x80, v4, vm0, $0xb8;
	[tilespmem:$0x17080] =	vst v63  }
0x2aa: {  	s13 =	simm.s32 $0xE880  }
0x2ab: {  	[hbm4b:s2+s4] =	stream.indirect_vreg.scatter [tilespmem:s13], [sflag:$0x4], $0x80, v4, vm0, $0xb8;
	[tilespmem:$0x17080] =	vst v63  }
0x2ac: {  	s15 =	simm.s32 $0xF080  }
0x2ad: {  	[hbm4b:s12+s4] =	stream.indirect_vreg.scatter [tilespmem:s15], [sflag:$0x4], $0x80, v3, vm0, $0xb8;
	[tilespmem:$0x17080] =	vst v63  }
0x2ae: {  	s20 =	simm.s32 $0xF880  }
0x2af: {  	[hbm4b:s2+s4] =	stream.indirect_vreg.scatter [tilespmem:s20], [sflag:$0x4], $0x80, v3, vm0, $0xb8;
	[tilespmem:$0x17080] =	vst v63  }
0x2b0: {  	v3 =	vld [tilespmem:$0x1020];
	_ =	sdelay $0x4  }
0x2b1: {  	v60 =	vshll.u32 v3, $0x2  }
0x2b2: {  	v3 =	vand.u32 $0x7, v3;
	v4 =	vand.u32 $0xFFFFFFE0, v60  }
0x2b3: {  	v3 =	vor.u32 v3, v4  }
0x2b4: {  	v4 =	vperm.xlane v3, v0;
	_ =	sdelay $0x1  }
0x2b5: {  	v4 =	vadd.s32 v1, v4;
	_ =	sdelay $0x1  }
0x2b6: {  	v3 =	vperm.xlane v3, v2;
	_ =	sdelay $0x1  }
0x2b7: {  	s17 =	simm.s32 $0x10080;
	v3 =	vadd.s32 v1, v3  }
0x2b8: {  	[hbm4b:s12+s4] =	stream.indirect_vreg.scatter [tilespmem:s17], [sflag:$0x4], $0x80, v4, vm0, $0xb8;
	[tilespmem:$0x17080] =	vst v63  }
0x2b9: {  	s18 =	simm.s32 $0x10880  }
0x2ba: {  	[hbm4b:s2+s4] =	stream.indirect_vreg.scatter [tilespmem:s18], [sflag:$0x4], $0x80, v4, vm0, $0xb8;
	[tilespmem:$0x17080] =	vst v63  }
0x2bb: {  	s19 =	simm.s32 $0x11080  }
0x2bc: {  	[hbm4b:s12+s4] =	stream.indirect_vreg.scatter [tilespmem:s19], [sflag:$0x4], $0x80, v3, vm0, $0xb8;
	[tilespmem:$0x17080] =	vst v63  }
0x2bd: {  	s19 =	simm.s32 $0x11880  }
0x2be: {  	[hbm4b:s2+s4] =	stream.indirect_vreg.scatter [tilespmem:s19], [sflag:$0x4], $0x80, v3, vm0, $0xb8;
	[tilespmem:$0x17080] =	vst v63  }
0x2bf: {  	v3 =	vld [tilespmem:$0x1030];
	_ =	sdelay $0x4  }
0x2c0: {  	v61 =	vshll.u32 v3, $0x2  }
0x2c1: {  	v3 =	vand.u32 $0x7, v3;
	v4 =	vand.u32 $0xFFFFFFE0, v61  }
0x2c2: {  	v3 =	vor.u32 v3, v4  }
0x2c3: {  	v4 =	vperm.xlane v3, v0;
	_ =	sdelay $0x1  }
0x2c4: {  	v4 =	vadd.s32 v1, v4;
	_ =	sdelay $0x1  }
0x2c5: {  	v3 =	vperm.xlane v3, v2;
	_ =	sdelay $0x1  }
0x2c6: {  	s22 =	simm.s32 $0x12080;
	v3 =	vadd.s32 v1, v3  }
0x2c7: {  	[hbm4b:s12+s4] =	stream.indirect_vreg.scatter [tilespmem:s22], [sflag:$0x4], $0x80, v4, vm0, $0xb8;
	[tilespmem:$0x17080] =	vst v63  }
0x2c8: {  	s24 =	simm.s32 $0x12880  }
0x2c9: {  	[hbm4b:s2+s4] =	stream.indirect_vreg.scatter [tilespmem:s24], [sflag:$0x4], $0x80, v4, vm0, $0xb8;
	[tilespmem:$0x17080] =	vst v63  }
0x2ca: {  	s24 =	simm.s32 $0x13080  }
0x2cb: {  	[hbm4b:s12+s4] =	stream.indirect_vreg.scatter [tilespmem:s24], [sflag:$0x4], $0x80, v3, vm0, $0xb8;
	[tilespmem:$0x17080] =	vst v63  }
0x2cc: {  	s5 =	simm.s32 $0x13880  }
0x2cd: {  	[hbm4b:s2+s4] =	stream.indirect_vreg.scatter [tilespmem:s5], [sflag:$0x4], $0x80, v3, vm0, $0xb8;
	[tilespmem:$0x17080] =	vst v63  }
0x2ce: {  	v3 =	vld [tilespmem:$0x1040];
	_ =	sdelay $0x4  }
0x2cf: {  	v62 =	vshll.u32 v3, $0x2  }
0x2d0: {  	v3 =	vand.u32 $0x7, v3;
	v4 =	vand.u32 $0xFFFFFFE0, v62  }
0x2d1: {  	v3 =	vor.u32 v3, v4  }
0x2d2: {  	v4 =	vperm.xlane v3, v0;
	_ =	sdelay $0x1  }
0x2d3: {  	v4 =	vadd.s32 v1, v4;
	_ =	sdelay $0x1  }
0x2d4: {  	v3 =	vperm.xlane v3, v2;
	_ =	sdelay $0x1  }
0x2d5: {  	s11 =	simm.s32 $0x14080;
	v3 =	vadd.s32 v1, v3  }
0x2d6: {  	[hbm4b:s12+s4] =	stream.indirect_vreg.scatter [tilespmem:s11], [sflag:$0x4], $0x80, v4, vm0, $0xb8;
	[tilespmem:$0x17080] =	vst v63  }
0x2d7: {  	s13 =	simm.s32 $0x14880  }
0x2d8: {  	[hbm4b:s2+s4] =	stream.indirect_vreg.scatter [tilespmem:s13], [sflag:$0x4], $0x80, v4, vm0, $0xb8;
	[tilespmem:$0x17080] =	vst v63  }
0x2d9: {  	s22 =	simm.s32 $0x15080  }
0x2da: {  	[hbm4b:s12+s4] =	stream.indirect_vreg.scatter [tilespmem:s22], [sflag:$0x4], $0x80, v3, vm0, $0xb8;
	[tilespmem:$0x17080] =	vst v63  }
0x2db: {  	s13 =	simm.s32 $0x15880  }
0x2dc: {  	[hbm4b:s2+s4] =	stream.indirect_vreg.scatter [tilespmem:s13], [sflag:$0x4], $0x80, v3, vm0, $0xb8;
	[tilespmem:$0x17080] =	vst v63  }
0x2dd: {  	v3 =	vld.msk [tilespmem:$0x1050], $0xff;
	_ =	sdelay $0x4  }
0x2de: {  	v63 =	vshll.u32 v3, $0x2  }
0x2df: {  	v3 =	vand.u32 $0x7, v3;
	v4 =	vand.u32 $0xFFFFFFE0, v63  }
0x2e0: {  	v3 =	vor.u32 v3, v4  }
0x2e1: {  	v3 =	vperm.xlane v3, v0  }
0x2e2: {  	p0 =	seq.s32 s28, $0x1080;
	s31 =	simm.s32 $0xC880;
	s1 =	simm.s32 $0x14880  }
0x2e3: {  	s29 =	simm.s32 $0xF080;
	s6 =	simm.s32 $0xD880;
	s9 =	simm.s32 $0xB080;
	v3 =	vadd.s32 v1, v3  }
0x2e4: {  	s26 =	simm.s32 $0xF880;
	s25 =	simm.s32 $0x10080;
	s23 =	simm.s32 $0x10880  }
0x2e5: {  	s10 =	simm.s32 $0xB880;
	s30 =	simm.s32 $0xE880;
	s21 =	simm.s32 $0x11080  }
0x2e6: {  	s16 =	simm.s32 $0xD080;
	s14 =	simm.s32 $0xE080;
	s15 =	simm.s32 $0x13880  }
0x2e7: {  	s20 =	simm.s32 $0x11880;
	s17 =	simm.s32 $0x13080;
	s13 =	simm.s32 $0x16080  }
0x2e8: {  	[hbm4b:s12+s4] =	stream.indirect_vreg.scatter [tilespmem:s13], [sflag:$0x4], $0x80, v3, vm0, $0xb8;
	[tilespmem:$0x17080] =	vst v63  }
.Ltmp2:
0x2e9: {  	s18 =	simm.s32 $0x12880;
	s12 =	simm.s32 $0x16880;
	(pc) =	sbr.rel @p0 .LBB2_4-.Ltmp2, $4  }
0x2ea: {  	[hbm4b:s2+s4] =	stream.indirect_vreg.scatter [tilespmem:s12], [sflag:$0x4], $0x80, v3, vm0, $0xb8;
	[tilespmem:$0x17080] =	vst v63  }
0x2eb: {  	s19 =	simm.s32 $0x12080;
	s24 =	simm.s32 $0x15080;
	_ =	swait.ge [sflag:s0], $0xB000  }
0x2ec: {  	s5 =	simm.s32 $0x14080;
	s11 =	simm.s32 $0x16080;
	[sflag:s0] =	ssyncset.done $0x0  }
0x2ed: {  	s22 =	simm.s32 $0x15880;
	s13 =	simm.s32 $0x16880;
	[sflag:s0] =	ssyncadd.s32 $0xFFFF5000  }
0x2ee: {  	s2 =	sadd.s32 $0xFFFFFF80, s28  }
0x2ef: {  	s2 =	sand.u32 $0x1E00, s2  }
0x2f0: {  	v3 =	vld [tilespmem:s2+$0x0];
	_ =	sdelay $0x4  }
0x2f1: {  	v4 =	vshll.u32 v3, $0x2  }
0x2f2: {  	v3 =	vand.u32 $0x7, v3;
	v4 =	vand.u32 $0xFFFFFFE0, v4  }
0x2f3: {  	v3 =	vor.u32 v3, v4  }
0x2f4: {  	v4 =	vperm.xlane v3, v0;
	_ =	sdelay $0x1  }
0x2f5: {  	v4 =	vadd.s32 v1, v4;
	_ =	sdelay $0x1  }
0x2f6: {  	v3 =	vperm.xlane v3, v2;
	_ =	sdelay $0x1  }
0x2f7: {  	s0 =	simm.s32 $0x1080;
	v3 =	vadd.s32 v1, v3  }
0x2f8: {  	[tilespmem:s0], [sflag:$0x1] =	stream.indirect_vreg.gather [hbm4b:s3+s4], $0x80, v4, vm0, $0xb8;
	[tilespmem:$0x17080] =	vst v63  }
0x2f9: {  	s13 =	simm.s32 $0x1880  }
0x2fa: {  	[tilespmem:s13], [sflag:$0x1] =	stream.indirect_vreg.gather [hbm4b:s7+s4], $0x80, v4, vm0, $0xb8;
	[tilespmem:$0x17080] =	vst v63  }
0x2fb: {  	s9 =	simm.s32 $0x2080  }
0x2fc: {  	[tilespmem:s9], [sflag:$0x1] =	stream.indirect_vreg.gather [hbm4b:s3+s4], $0x80, v3, vm0, $0xb8;
	[tilespmem:$0x17080] =	vst v63  }
0x2fd: {  	s10 =	simm.s32 $0x2880  }
0x2fe: {  	[tilespmem:s10], [sflag:$0x1] =	stream.indirect_vreg.gather [hbm4b:s7+s4], $0x80, v3, vm0, $0xb8;
	[tilespmem:$0x17080] =	vst v63  }
0x2ff: {  	v3 =	vld [tilespmem:s2+$0x10];
	_ =	sdelay $0x4  }
0x300: {  	v55 =	vshll.u32 v3, $0x2  }
0x301: {  	v3 =	vand.u32 $0x7, v3;
	v4 =	vand.u32 $0xFFFFFFE0, v55  }
0x302: {  	v3 =	vor.u32 v3, v4  }
0x303: {  	v4 =	vperm.xlane v3, v0;
	_ =	sdelay $0x1  }
0x304: {  	v4 =	vadd.s32 v1, v4;
	_ =	sdelay $0x1  }
0x305: {  	v3 =	vperm.xlane v3, v2;
	_ =	sdelay $0x1  }
0x306: {  	s11 =	simm.s32 $0x3080;
	v3 =	vadd.s32 v1, v3  }
0x307: {  	[tilespmem:s11], [sflag:$0x1] =	stream.indirect_vreg.gather [hbm4b:s3+s4], $0x80, v4, vm0, $0xb8;
	[tilespmem:$0x17080] =	vst v63  }
0x308: {  	s12 =	simm.s32 $0x3880  }
0x309: {  	[tilespmem:s12], [sflag:$0x1] =	stream.indirect_vreg.gather [hbm4b:s7+s4], $0x80, v4, vm0, $0xb8;
	[tilespmem:$0x17080] =	vst v63  }
0x30a: {  	s13 =	simm.s32 $0x4080  }
0x30b: {  	[tilespmem:s13], [sflag:$0x1] =	stream.indirect_vreg.gather [hbm4b:s3+s4], $0x80, v3, vm0, $0xb8;
	[tilespmem:$0x17080] =	vst v63  }
0x30c: {  	s9 =	simm.s32 $0x4880  }
0x30d: {  	[tilespmem:s9], [sflag:$0x1] =	stream.indirect_vreg.gather [hbm4b:s7+s4], $0x80, v3, vm0, $0xb8;
	[tilespmem:$0x17080] =	vst v63  }
0x30e: {  	v3 =	vld [tilespmem:s2+$0x20];
	_ =	sdelay $0x4  }
0x30f: {  	v56 =	vshll.u32 v3, $0x2  }
0x310: {  	v3 =	vand.u32 $0x7, v3;
	v4 =	vand.u32 $0xFFFFFFE0, v56  }
0x311: {  	v3 =	vor.u32 v3, v4  }
0x312: {  	v4 =	vperm.xlane v3, v0;
	_ =	sdelay $0x1  }
0x313: {  	v4 =	vadd.s32 v1, v4;
	_ =	sdelay $0x1  }
0x314: {  	v3 =	vperm.xlane v3, v2;
	_ =	sdelay $0x1  }
0x315: {  	s10 =	simm.s32 $0x5080;
	v3 =	vadd.s32 v1, v3  }
0x316: {  	[tilespmem:s10], [sflag:$0x1] =	stream.indirect_vreg.gather [hbm4b:s3+s4], $0x80, v4, vm0, $0xb8;
	[tilespmem:$0x17080] =	vst v63  }
0x317: {  	s11 =	simm.s32 $0x5880  }
0x318: {  	[tilespmem:s11], [sflag:$0x1] =	stream.indirect_vreg.gather [hbm4b:s7+s4], $0x80, v4, vm0, $0xb8;
	[tilespmem:$0x17080] =	vst v63  }
0x319: {  	s12 =	simm.s32 $0x6080  }
0x31a: {  	[tilespmem:s12], [sflag:$0x1] =	stream.indirect_vreg.gather [hbm4b:s3+s4], $0x80, v3, vm0, $0xb8;
	[tilespmem:$0x17080] =	vst v63  }
0x31b: {  	s13 =	simm.s32 $0x6880  }
0x31c: {  	[tilespmem:s13], [sflag:$0x1] =	stream.indirect_vreg.gather [hbm4b:s7+s4], $0x80, v3, vm0, $0xb8;
	[tilespmem:$0x17080] =	vst v63  }
0x31d: {  	v3 =	vld [tilespmem:s2+$0x30];
	_ =	sdelay $0x4  }
0x31e: {  	v57 =	vshll.u32 v3, $0x2  }
0x31f: {  	v3 =	vand.u32 $0x7, v3;
	v4 =	vand.u32 $0xFFFFFFE0, v57  }
0x320: {  	v3 =	vor.u32 v3, v4  }
0x321: {  	v4 =	vperm.xlane v3, v0;
	_ =	sdelay $0x1  }
0x322: {  	v4 =	vadd.s32 v1, v4;
	_ =	sdelay $0x1  }
0x323: {  	v3 =	vperm.xlane v3, v2;
	_ =	sdelay $0x1  }
0x324: {  	s9 =	simm.s32 $0x7080;
	v3 =	vadd.s32 v1, v3  }
0x325: {  	[tilespmem:s9], [sflag:$0x1] =	stream.indirect_vreg.gather [hbm4b:s3+s4], $0x80, v4, vm0, $0xb8;
	[tilespmem:$0x17080] =	vst v63  }
0x326: {  	s10 =	simm.s32 $0x7880  }
0x327: {  	[tilespmem:s10], [sflag:$0x1] =	stream.indirect_vreg.gather [hbm4b:s7+s4], $0x80, v4, vm0, $0xb8;
	[tilespmem:$0x17080] =	vst v63  }
0x328: {  	s11 =	simm.s32 $0x8080  }
0x329: {  	[tilespmem:s11], [sflag:$0x1] =	stream.indirect_vreg.gather [hbm4b:s3+s4], $0x80, v3, vm0, $0xb8;
	[tilespmem:$0x17080] =	vst v63  }
0x32a: {  	s12 =	simm.s32 $0x8880  }
0x32b: {  	[tilespmem:s12], [sflag:$0x1] =	stream.indirect_vreg.gather [hbm4b:s7+s4], $0x80, v3, vm0, $0xb8;
	[tilespmem:$0x17080] =	vst v63  }
0x32c: {  	v3 =	vld [tilespmem:s2+$0x40];
	_ =	sdelay $0x4  }
0x32d: {  	v58 =	vshll.u32 v3, $0x2  }
0x32e: {  	v3 =	vand.u32 $0x7, v3;
	v4 =	vand.u32 $0xFFFFFFE0, v58  }
0x32f: {  	v3 =	vor.u32 v3, v4  }
0x330: {  	v4 =	vperm.xlane v3, v0;
	_ =	sdelay $0x1  }
0x331: {  	v4 =	vadd.s32 v1, v4;
	_ =	sdelay $0x1  }
0x332: {  	v3 =	vperm.xlane v3, v2;
	_ =	sdelay $0x1  }
0x333: {  	s13 =	simm.s32 $0x9080;
	v3 =	vadd.s32 v1, v3  }
0x334: {  	[tilespmem:s13], [sflag:$0x1] =	stream.indirect_vreg.gather [hbm4b:s3+s4], $0x80, v4, vm0, $0xb8;
	[tilespmem:$0x17080] =	vst v63  }
0x335: {  	s2 =	simm.s32 $0x9880  }
0x336: {  	[tilespmem:s2], [sflag:$0x1] =	stream.indirect_vreg.gather [hbm4b:s7+s4], $0x80, v4, vm0, $0xb8;
	[tilespmem:$0x17080] =	vst v63  }
0x337: {  	s9 =	simm.s32 $0xA080  }
0x338: {  	[tilespmem:s9], [sflag:$0x1] =	stream.indirect_vreg.gather [hbm4b:s3+s4], $0x80, v3, vm0, $0xb8;
	[tilespmem:$0x17080] =	vst v63  }
0x339: {  	s10 =	simm.s32 $0xA880;
	s11 =	simm.s32 $0x4  }
0x33a: {  	[tilespmem:s10], [sflag:$0x1] =	stream.indirect_vreg.gather [hbm4b:s7+s4], $0x80, v3, vm0, $0xb8;
	[tilespmem:$0x17080] =	vst v63  }
0x33b: {  	_ =	swait.ge [sflag:s11], $0xB000  }
0x33c: {  	[sflag:s11] =	ssyncset.done $0x0  }
0x33d: {  	s12 =	sand.u32 $0x1E80, s28;
	[sflag:s11] =	ssyncadd.s32 $0xFFFF5000  }
0x33e: {  	v3 =	vld [tilespmem:s12+$0x0];
	_ =	sdelay $0x4  }
0x33f: {  	v59 =	vshll.u32 v3, $0x2  }
0x340: {  	v3 =	vand.u32 $0x7, v3;
	v4 =	vand.u32 $0xFFFFFFE0, v59  }
0x341: {  	v3 =	vor.u32 v3, v4  }
0x342: {  	v4 =	vperm.xlane v3, v0;
	_ =	sdelay $0x1  }
0x343: {  	v4 =	vadd.s32 v1, v4;
	_ =	sdelay $0x1  }
0x344: {  	v3 =	vperm.xlane v3, v2;
	_ =	sdelay $0x1  }
0x345: {  	s13 =	simm.s32 $0xC080;
	v3 =	vadd.s32 v1, v3  }
0x346: {  	[tilespmem:s13], [sflag:$0x2] =	stream.indirect_vreg.gather [hbm4b:s3+s4], $0x80, v4, vm0, $0xb8;
	[tilespmem:$0x17080] =	vst v63  }
0x347: {  	_ = 	snop  }
0x348: {  	[tilespmem:s31], [sflag:$0x2] =	stream.indirect_vreg.gather [hbm4b:s7+s4], $0x80, v4, vm0, $0xb8;
	[tilespmem:$0x17080] =	vst v63  }
0x349: {  	_ = 	snop  }
0x34a: {  	[tilespmem:s16], [sflag:$0x2] =	stream.indirect_vreg.gather [hbm4b:s3+s4], $0x80, v3, vm0, $0xb8;
	[tilespmem:$0x17080] =	vst v63  }
0x34b: {  	_ = 	snop  }
0x34c: {  	[tilespmem:s6], [sflag:$0x2] =	stream.indirect_vreg.gather [hbm4b:s7+s4], $0x80, v3, vm0, $0xb8;
	[tilespmem:$0x17080] =	vst v63  }
0x34d: {  	v3 =	vld [tilespmem:s12+$0x10];
	_ =	sdelay $0x4  }
0x34e: {  	v60 =	vshll.u32 v3, $0x2  }
0x34f: {  	v3 =	vand.u32 $0x7, v3;
	v4 =	vand.u32 $0xFFFFFFE0, v60  }
0x350: {  	v3 =	vor.u32 v3, v4  }
0x351: {  	v4 =	vperm.xlane v3, v0;
	_ =	sdelay $0x1  }
0x352: {  	v4 =	vadd.s32 v1, v4;
	_ =	sdelay $0x1  }
0x353: {  	v3 =	vperm.xlane v3, v2;
	_ =	sdelay $0x1  }
0x354: {  	v3 =	vadd.s32 v1, v3  }
0x355: {  	[tilespmem:s14], [sflag:$0x2] =	stream.indirect_vreg.gather [hbm4b:s3+s4], $0x80, v4, vm0, $0xb8;
	[tilespmem:$0x17080] =	vst v63  }
0x356: {  	_ = 	snop  }
0x357: {  	[tilespmem:s30], [sflag:$0x2] =	stream.indirect_vreg.gather [hbm4b:s7+s4], $0x80, v4, vm0, $0xb8;
	[tilespmem:$0x17080] =	vst v63  }
0x358: {  	_ = 	snop  }
0x359: {  	[tilespmem:s29], [sflag:$0x2] =	stream.indirect_vreg.gather [hbm4b:s3+s4], $0x80, v3, vm0, $0xb8;
	[tilespmem:$0x17080] =	vst v63  }
0x35a: {  	_ = 	snop  }
0x35b: {  	[tilespmem:s26], [sflag:$0x2] =	stream.indirect_vreg.gather [hbm4b:s7+s4], $0x80, v3, vm0, $0xb8;
	[tilespmem:$0x17080] =	vst v63  }
0x35c: {  	v3 =	vld [tilespmem:s12+$0x20];
	_ =	sdelay $0x4  }
0x35d: {  	v61 =	vshll.u32 v3, $0x2  }
0x35e: {  	v3 =	vand.u32 $0x7, v3;
	v4 =	vand.u32 $0xFFFFFFE0, v61  }
0x35f: {  	v3 =	vor.u32 v3, v4  }
0x360: {  	v4 =	vperm.xlane v3, v0;
	_ =	sdelay $0x1  }
0x361: {  	v4 =	vadd.s32 v1, v4;
	_ =	sdelay $0x1  }
0x362: {  	v3 =	vperm.xlane v3, v2;
	_ =	sdelay $0x1  }
0x363: {  	v3 =	vadd.s32 v1, v3  }
0x364: {  	[tilespmem:s25], [sflag:$0x2] =	stream.indirect_vreg.gather [hbm4b:s3+s4], $0x80, v4, vm0, $0xb8;
	[tilespmem:$0x17080] =	vst v63  }
0x365: {  	_ = 	snop  }
0x366: {  	[tilespmem:s23], [sflag:$0x2] =	stream.indirect_vreg.gather [hbm4b:s7+s4], $0x80, v4, vm0, $0xb8;
	[tilespmem:$0x17080] =	vst v63  }
0x367: {  	_ = 	snop  }
0x368: {  	[tilespmem:s21], [sflag:$0x2] =	stream.indirect_vreg.gather [hbm4b:s3+s4], $0x80, v3, vm0, $0xb8;
	[tilespmem:$0x17080] =	vst v63  }
0x369: {  	_ = 	snop  }
0x36a: {  	[tilespmem:s20], [sflag:$0x2] =	stream.indirect_vreg.gather [hbm4b:s7+s4], $0x80, v3, vm0, $0xb8;
	[tilespmem:$0x17080] =	vst v63  }
0x36b: {  	v3 =	vld [tilespmem:s12+$0x30];
	_ =	sdelay $0x4  }
0x36c: {  	v62 =	vshll.u32 v3, $0x2  }
0x36d: {  	v3 =	vand.u32 $0x7, v3;
	v4 =	vand.u32 $0xFFFFFFE0, v62  }
0x36e: {  	v3 =	vor.u32 v3, v4  }
0x36f: {  	v4 =	vperm.xlane v3, v0;
	_ =	sdelay $0x1  }
0x370: {  	v4 =	vadd.s32 v1, v4;
	_ =	sdelay $0x1  }
0x371: {  	v3 =	vperm.xlane v3, v2;
	_ =	sdelay $0x1  }
0x372: {  	v3 =	vadd.s32 v1, v3  }
0x373: {  	[tilespmem:s19], [sflag:$0x2] =	stream.indirect_vreg.gather [hbm4b:s3+s4], $0x80, v4, vm0, $0xb8;
	[tilespmem:$0x17080] =	vst v63  }
0x374: {  	_ = 	snop  }
0x375: {  	[tilespmem:s18], [sflag:$0x2] =	stream.indirect_vreg.gather [hbm4b:s7+s4], $0x80, v4, vm0, $0xb8;
	[tilespmem:$0x17080] =	vst v63  }
0x376: {  	_ = 	snop  }
0x377: {  	[tilespmem:s17], [sflag:$0x2] =	stream.indirect_vreg.gather [hbm4b:s3+s4], $0x80, v3, vm0, $0xb8;
	[tilespmem:$0x17080] =	vst v63  }
0x378: {  	_ = 	snop  }
0x379: {  	[tilespmem:s15], [sflag:$0x2] =	stream.indirect_vreg.gather [hbm4b:s7+s4], $0x80, v3, vm0, $0xb8;
	[tilespmem:$0x17080] =	vst v63  }
0x37a: {  	v3 =	vld [tilespmem:s12+$0x40];
	_ =	sdelay $0x4  }
0x37b: {  	v63 =	vshll.u32 v3, $0x2  }
0x37c: {  	v3 =	vand.u32 $0x7, v3;
	v4 =	vand.u32 $0xFFFFFFE0, v63  }
0x37d: {  	v3 =	vor.u32 v3, v4  }
0x37e: {  	v4 =	vperm.xlane v3, v0;
	_ =	sdelay $0x1  }
0x37f: {  	v4 =	vadd.s32 v1, v4  }
0x380: {  	s8 =	sadd.s32 $0x5000, s8;
	s0 =	simm.s32 $0x2880;
	s28 =	sadd.s32 $0x200, s28  }
0x381: {  	s2 =	simm.s32 $0xC080;
	s9 =	simm.s32 $0xC880;
	s13 =	simm.s32 $0xD080;
	v3 =	vperm.xlane v3, v2  }
0x382: {  	s31 =	simm.s32 $0xA880;
	s16 =	simm.s32 $0x4880;
	s14 =	simm.s32 $0x4080  }
0x383: {  	s30 =	simm.s32 $0x9880;
	s26 =	simm.s32 $0x3880;
	s25 =	simm.s32 $0x8880;
	v3 =	vadd.s32 v1, v3  }
0x384: {  	[tilespmem:s5], [sflag:$0x2] =	stream.indirect_vreg.gather [hbm4b:s3+s4], $0x80, v4, vm0, $0xb8;
	[tilespmem:$0x17080] =	vst v63  }
0x385: {  	s23 =	simm.s32 $0x7880;
	s21 =	simm.s32 $0x2080;
	s20 =	simm.s32 $0x6880  }
0x386: {  	[tilespmem:s1], [sflag:$0x2] =	stream.indirect_vreg.gather [hbm4b:s7+s4], $0x80, v4, vm0, $0xb8;
	[tilespmem:$0x17080] =	vst v63  }
.Ltmp3:
0x387: {  	s19 =	simm.s32 $0x6080;
	s18 =	simm.s32 $0x5880;
	(pc) =	sbr.rel .LBB2_2-.Ltmp3, $4  }
0x388: {  	[tilespmem:s24], [sflag:$0x2] =	stream.indirect_vreg.gather [hbm4b:s3+s4], $0x80, v3, vm0, $0xb8;
	[tilespmem:$0x17080] =	vst v63  }
0x389: {  	s17 =	simm.s32 $0x5080;
	s15 =	simm.s32 $0x1880;
	s12 =	simm.s32 $0x1080  }
0x38a: {  	[tilespmem:s22], [sflag:$0x2] =	stream.indirect_vreg.gather [hbm4b:s7+s4], $0x80, v3, vm0, $0xb8;
	[tilespmem:$0x17080] =	vst v63  }
0x38b: {  	s1 =	simm.s32 $0x3080;
	s24 =	simm.s32 $0x8080;
	s22 =	simm.s32 $0x7080  }
.LBB2_5:
0x38c: {  	_ =	sfence.sel $0x180000  }
0x38d: {  	[bflag:$0x0] =	sbarrier.arrive $0xFFFF  }
0x38e: {  	_ =	strace $0x90000047  }
0x38f: {  	s0 =	stileid.u32;
	[bflag:$0x2] =	sbarrier.arrive $0xFFFF  }
0x390: {  	p0 =	sne.s32 s0, $0x0;
	s0 =	rddreg [dreg:$0x4]  }
0x391: {  	s0 =	sadd.s32 @!p0 $0x100000, s0  }
0x392: {  	[sflag:s0] =	ssyncadd.tile.s32 @!p0 $0x1;
	_ =	shalt  }
.Lfunc_end2:
_tile_overlayer_lowered:
.L_overlay_start_2:
0x393: {  	(tag) =	ssettag $0x2  }
0x394: {  	s0 =	rddreg [dreg:$0x0];
	s2 =	stileid.u32  }
0x395: {  	s1 =	rddreg [dreg:$0x1];
	p0 =	sne.s32 s2, $0x0  }
0x396: {  	s3 =	rddreg [dreg:$0x2];
	[bflag:$0x3] =	sbarrier.arrive $0xFFFF;
	s2 =	simm.s32 @!p0 $0x1C05  }
0x397: {  	[timem:s3], [sflag:s2] =	dma.local @!p0 [hbm:s0], s1  }
0x398: {  	s0 =	simm.s32 @!p0 $0x5  }
0x399: {  	_ =	swait.ge @!p0 [sflag:s0], s1  }
0x39a: {  	s1 =	ssub.s32 @!p0 $0x0, s1;
	[sflag:s0] =	ssyncset.done @!p0 $0x0  }
0x39b: {  	[sflag:s0] =	ssyncadd.s32 @!p0 s1  }
0x39c: {  	[bflag:$0x3] =	sbarrier.arrive $0xFFFF  }
0x39d: {  	_ =	shalt  }

</sc_bundles>
